<compile_context>
chip_gen: v7x
topology: tpu7x:2x2x1
jax: 0.10.2.dev20260603
libtpu: 0.0.44.dev20260713+nightly
codegen_flags: <defaults>
</compile_context>

<pallas_src>
import functools

import jax
import jax.numpy as jnp
import numpy as np
from jax import lax
from jax.experimental import pallas as pl
from jax.experimental.pallas import tpu as pltpu
from jax.experimental.pallas import tpu_sc as plsc

NC = 2
NS = 16
NW = NC * NS

B = 16384
S = 20
D = 64
VT = 2001
VTITLE = 1001
RPW = B // NW
CB = 32
NCHUNK = RPW // CB
PW = D // 2
TPW = S // 2
OTILE = CB * 2 * D
MASK_HI = np.int32(-65536)


def _treemax(vals):
    while len(vals) > 1:
        nxt = [jnp.maximum(a, b) for a, b in zip(vals[::2], vals[1::2])]
        if len(vals) % 2:
            nxt.append(vals[-1])
        vals = nxt
    return vals[0]


def _unpack_store(ai, ref, idx2, base):
    plsc.store_scatter(ref, [idx2 + base],
                       plsc.bitcast(jnp.left_shift(ai, 16), jnp.float32))
    plsc.store_scatter(ref, [idx2 + (base + 1)],
                       plsc.bitcast(jnp.bitwise_and(ai, MASK_HI), jnp.float32))


def _sc_body(title_ids_hbm, tok_hbm, title_tab_hbm, text_tab_hbm,
             out_hbm, textv, titlev, rawv, pkv, tidv, outv, sem, sem_tab):
    wid = lax.axis_index("s") * NC + lax.axis_index("c")

    pltpu.sync_copy(tok_hbm.at[pl.ds(wid * (RPW * S), RPW * S)], rawv)
    pltpu.sync_copy(title_ids_hbm.at[pl.ds(wid * RPW, RPW)],
                    tidv.at[pl.ds(0, RPW)])
    text_dma = pltpu.async_copy(text_tab_hbm,
                                textv.at[pl.ds(0, (VT - 1) * PW)], sem_tab)
    title_dma = pltpu.async_copy(title_tab_hbm, titlev, sem_tab)
    mrow = plsc.bitcast(jnp.full((32,), -1e9, jnp.bfloat16), jnp.int32)
    textv[pl.ds((VT - 1) * PW, 16)] = mrow
    textv[pl.ds((VT - 1) * PW + 16, 16)] = mrow

    iota = lax.iota(jnp.int32, 16)
    idxae = jnp.bitwise_and(iota * 2, jnp.int32(15))
    idxao = jnp.bitwise_and(iota * 2 + 1, jnp.int32(15))
    idxbe = jnp.bitwise_and(iota * 2 - 4, jnp.int32(15))
    idxbo = jnp.bitwise_and(iota * 2 - 3, jnp.int32(15))
    zero16 = jnp.bitwise_and(iota, jnp.int32(0))
    lane_lo = iota < 8
    tok_lane = iota < TPW
    _dn = lax.GatherDimensionNumbers(
        offset_dims=(), collapsed_slice_dims=(0,), start_index_map=(0,))

    def _lanegather(v, i):
        return lax.gather(v, i[:, None], _dn, slice_sizes=(1,),
                          mode=lax.GatherScatterMode.PROMISE_IN_BOUNDS)

    def remap_pack(r, _):
        va = rawv[pl.ds(r * S, 16)]
        vb = rawv[pl.ds(r * S + 4, 16)]
        e = jnp.where(lane_lo, _lanegather(va, idxae), _lanegather(vb, idxbe))
        o = jnp.where(lane_lo, _lanegather(va, idxao), _lanegather(vb, idxbo))
        e = jnp.where(e == 0, jnp.int32(VT - 1), e) * PW
        o = jnp.where(o == 0, jnp.int32(VT - 1), o) * PW
        packed = jnp.bitwise_or(e, jnp.left_shift(o, 16))
        tv = tidv[pl.ds(r, 16)]
        tbc = _lanegather(tv, zero16) * PW
        pkv[pl.ds(r * 16, 16)] = jnp.where(tok_lane, packed, tbc)
        return _

    lax.fori_loop(0, RPW, remap_pack, None)

    text_dma.wait()
    title_dma.wait()

    def chunk_body(g, _):
        ob0 = lax.rem(g, 2) * OTILE

        @pl.when(g >= 2)
        def _wait_prev():
            pltpu.make_async_copy(
                outv.at[pl.ds(0, OTILE)], out_hbm.at[pl.ds(0, OTILE)],
                sem).wait()

        idx2 = iota * 2

        @plsc.parallel_loop(0, CB, 1, unroll=2)
        def _row(r):
            pvi = pkv[pl.ds((g * CB + r) * 16, 16)]
            offs = []
            for k in range(TPW):
                w = pvi[k]
                offs.append(jnp.bitwise_and(w, jnp.int32(0xFFFF)))
                offs.append(lax.shift_right_logical(w, 16))
            ta = pvi[TPW]
            ob = ob0 + r * 2 * D
            for h in (0, 1):
                vals = [
                    plsc.bitcast(textv[pl.ds(offs[s] + h * 16, 16)],
                                 jnp.bfloat16)
                    for s in range(S)
                ]
                acc = plsc.bitcast(_treemax(vals), jnp.int32)
                _unpack_store(acc, outv, idx2, ob + D + h * 32)
                _unpack_store(titlev[pl.ds(ta + h * 16, 16)], outv,
                              idx2, ob + h * 32)
        pltpu.async_copy(
            outv.at[pl.ds(ob0, OTILE)],
            out_hbm.at[pl.ds((wid * RPW + g * CB) * 2 * D, OTILE)], sem)
        return _

    lax.fori_loop(0, NCHUNK, chunk_body, None)
    for _ in range(2):
        pltpu.make_async_copy(
            outv.at[pl.ds(0, OTILE)], out_hbm.at[pl.ds(0, OTILE)], sem).wait()


def _packtab(table_f32):
    v = table_f32.shape[0]
    t = table_f32.astype(jnp.bfloat16).reshape(v, PW, 2)
    return lax.bitcast_convert_type(t, jnp.int32).reshape(-1)


@jax.jit
def _run(title_ids, tok_pk, title_perm, text_perm):
    mesh = plsc.VectorSubcoreMesh(core_axis_name="c", subcore_axis_name="s")
    f = functools.partial(
        pl.kernel,
        out_type=jax.ShapeDtypeStruct((B * 2 * D,), jnp.float32),
        mesh=mesh,
        compiler_params=pltpu.CompilerParams(
            needs_layout_passes=False, disable_bounds_checks=True),
        scratch_types=[
            pltpu.VMEM((VT * PW,), jnp.int32),
            pltpu.VMEM((VTITLE * PW,), jnp.int32),
            pltpu.VMEM((RPW * S,), jnp.int32),
            pltpu.VMEM((RPW * 16,), jnp.int32),
            pltpu.VMEM((RPW + 16,), jnp.int32),
            pltpu.VMEM((2 * OTILE,), jnp.float32),
            pltpu.SemaphoreType.DMA,
            pltpu.SemaphoreType.DMA,
        ],
    )(_sc_body)
    return f(title_ids, tok_pk, title_perm, text_perm)


def kernel(title_ids, token_ids, title_table, text_table):
    text_perm = _packtab(text_table)
    title_perm = _packtab(title_table)
    out = _run(title_ids, token_ids.reshape(-1), title_perm, text_perm)
    return out.reshape(B, 2 * D)

# --- scband reference (transcript-rebuilt; emitter-appended) ---
"""Pipeline reference for scband-item-model-48790828482583 (READ-ONLY COPY).

The authoritative reference and input builder live on the scoring server;
editing this copy changes nothing except your own understanding.
"""

import jax, jax.numpy as jnp
import numpy as np

VOCAB = 1000          # len(unique_item_titles)
MAX_TOKENS = 2000     # TextVectorization max_tokens
EMBED_DIM = 64
BATCH = 16384
SEQ = 20              # tokenized title length


def setup_inputs(seed: int = 0) -> dict:
    key = jax.random.key(seed)
    k1, k2, k3, k4 = jax.random.split(key, 4)
    # StringLookup output ids: [0, VOCAB] inclusive (index 0 is OOV), table size VOCAB+1
    title_ids = jax.random.randint(k1, (BATCH,), 0, VOCAB + 1, dtype=jnp.int32)
    # TextVectorization output token ids in [0, MAX_TOKENS), 0 == padding (mask_zero=True)
    token_ids = jax.random.randint(k2, (BATCH, SEQ), 0, MAX_TOKENS, dtype=jnp.int32)
    # Learned embedding tables (params)
    title_table = jax.random.normal(k3, (VOCAB + 1, EMBED_DIM), dtype=jnp.float32) * 0.05
    text_table = jax.random.normal(k4, (MAX_TOKENS, EMBED_DIM), dtype=jnp.float32) * 0.05
    return {"title_ids": title_ids, "token_ids": token_ids,
            "title_table": title_table, "text_table": text_table}


def reference(title_ids, token_ids, title_table, text_table):
    # Branch 1: StringLookup -> Embedding  (whole-title id embedding)
    title_emb = jnp.take(title_table, title_ids, axis=0)            # [B, D]
    # Branch 2: TextVectorization -> Embedding(mask_zero=True) -> GlobalMaxPool1D
    tok_emb = jnp.take(text_table, token_ids, axis=0)               # [B, S, D]
    mask = (token_ids != 0)[:, :, None]                             # [B, S, 1]
    masked = jnp.where(mask, tok_emb, jnp.float32(-1e9))
    pooled = jnp.max(masked, axis=1)                                # [B, D]
    # concat along feature axis (Keras tf.concat axis=1)
    return jnp.concatenate([title_emb, pooled], axis=1)             # [B, 2D]

if __name__ == "__main__":
    import jax
    _d = setup_inputs()
    print(jax.jit(kernel)(*tuple(_d.values())))

</pallas_src>

<mosaic_0001>
#map = affine_map<(d0, d1) -> (0)>
module attributes {stable_mosaic.version = 14 : i64} {
  func.func @_sc_body(%arg0: i32, %arg1: i32, %arg2: memref<16384xi32, #tpu.memory_space<hbm>>, %arg3: memref<327680xi32, #tpu.memory_space<hbm>>, %arg4: memref<32032xi32, #tpu.memory_space<hbm>>, %arg5: memref<64000xi32, #tpu.memory_space<hbm>>, %arg6: memref<2097152xf32, #tpu.memory_space<hbm>>, %arg7: memref<64032xi32, #tpu.memory_space<vmem>>, %arg8: memref<32032xi32, #tpu.memory_space<vmem>>, %arg9: memref<10240xi32, #tpu.memory_space<vmem>>, %arg10: memref<8192xi32, #tpu.memory_space<vmem>>, %arg11: memref<528xi32, #tpu.memory_space<vmem>>, %arg12: memref<8192xf32, #tpu.memory_space<vmem>>, %arg13: memref<!tpu.dma_semaphore, #tpu.memory_space<semaphore_mem>>, %arg14: memref<!tpu.dma_semaphore, #tpu.memory_space<semaphore_mem>>) attributes {dimension_semantics = [#tpu.dimension_semantics<core_parallel>, #tpu.dimension_semantics<subcore_parallel>], iteration_bounds = array<i64: 2, 16>, scalar_prefetch = 0 : i64, scratch_operands = 8 : i64, tpu.core_type = #tpu.core_type<sc_vector_subcore>, window_params = [{transform_indices = #map}, {transform_indices = #map}, {transform_indices = #map}, {transform_indices = #map}, {transform_indices = #map}]} {
    %mul3A = arith.constant 2 : i32
    %mul3A_0 = arith.muli %arg1, %mul3A : i32
    %add3A = arith.addi %mul3A_0, %arg0 : i32
    %mul3A_1 = arith.constant 10240 : i32
    %mul3A_2 = arith.muli %add3A, %mul3A_1 : i32
    "tpu.region"() ({
      %run_scoped3A = tpu.sem_alloc : memref<!tpu.dma_semaphore, #tpu.memory_space<semaphore_mem>>
      %dma_start3A_79 = tpu.memref_slice %arg3[%mul3A_2] : memref<327680xi32, #tpu.memory_space<hbm>> -> memref<10240xi32, #tpu.memory_space<hbm>>
      %dma_start3A_80 = tpu.memref_slice %arg3[%mul3A_2] : memref<327680xi32, #tpu.memory_space<hbm>> -> memref<10240xi32, #tpu.memory_space<hbm>>
      tpu.enqueue_dma source(%dma_start3A_80 : memref<10240xi32, #tpu.memory_space<hbm>>) target(%arg9 : memref<10240xi32, #tpu.memory_space<vmem>>) target_semaphore(%run_scoped3A : memref<!tpu.dma_semaphore, #tpu.memory_space<semaphore_mem>>)
      %dma_wait3A_81 = tpu.memref_slice %arg3[%mul3A_2] : memref<327680xi32, #tpu.memory_space<hbm>> -> memref<10240xi32, #tpu.memory_space<hbm>>
      %dma_wait3A_82 = tpu.memref_slice %arg3[%mul3A_2] : memref<327680xi32, #tpu.memory_space<hbm>> -> memref<10240xi32, #tpu.memory_space<hbm>>
      tpu.wait_dma2 semaphore(%run_scoped3A : memref<!tpu.dma_semaphore, #tpu.memory_space<semaphore_mem>>) src(%dma_wait3A_82 : memref<10240xi32, #tpu.memory_space<hbm>>) dst(%arg9 : memref<10240xi32, #tpu.memory_space<vmem>>)
      tpu.yield
    }) : () -> ()
    %mul3A_3 = arith.constant 512 : i32
    %mul3A_4 = arith.muli %add3A, %mul3A_3 : i32
    "tpu.region"() ({
      %run_scoped3A = tpu.sem_alloc : memref<!tpu.dma_semaphore, #tpu.memory_space<semaphore_mem>>
      %dma_start3A_79 = arith.constant 0 : i32
      %dma_start3A_80 = tpu.memref_slice %arg11[%dma_start3A_79] : memref<528xi32, #tpu.memory_space<vmem>> -> memref<512xi32, #tpu.memory_space<vmem>>
      %dma_start3A_81 = tpu.memref_slice %arg2[%mul3A_4] : memref<16384xi32, #tpu.memory_space<hbm>> -> memref<512xi32, #tpu.memory_space<hbm>>
      %dma_start3A_82 = arith.constant 0 : i32
      %dma_start3A_83 = tpu.memref_slice %arg11[%dma_start3A_82] : memref<528xi32, #tpu.memory_space<vmem>> -> memref<512xi32, #tpu.memory_space<vmem>>
      %dma_start3A_84 = tpu.memref_slice %arg2[%mul3A_4] : memref<16384xi32, #tpu.memory_space<hbm>> -> memref<512xi32, #tpu.memory_space<hbm>>
      tpu.enqueue_dma source(%dma_start3A_84 : memref<512xi32, #tpu.memory_space<hbm>>) target(%dma_start3A_83 : memref<512xi32, #tpu.memory_space<vmem>>) target_semaphore(%run_scoped3A : memref<!tpu.dma_semaphore, #tpu.memory_space<semaphore_mem>>)
      %dma_wait3A_85 = arith.constant 0 : i32
      %dma_wait3A_86 = tpu.memref_slice %arg11[%dma_wait3A_85] : memref<528xi32, #tpu.memory_space<vmem>> -> memref<512xi32, #tpu.memory_space<vmem>>
      %dma_wait3A_87 = tpu.memref_slice %arg2[%mul3A_4] : memref<16384xi32, #tpu.memory_space<hbm>> -> memref<512xi32, #tpu.memory_space<hbm>>
      %dma_wait3A_88 = arith.constant 0 : i32
      %dma_wait3A_89 = tpu.memref_slice %arg11[%dma_wait3A_88] : memref<528xi32, #tpu.memory_space<vmem>> -> memref<512xi32, #tpu.memory_space<vmem>>
      %dma_wait3A_90 = tpu.memref_slice %arg2[%mul3A_4] : memref<16384xi32, #tpu.memory_space<hbm>> -> memref<512xi32, #tpu.memory_space<hbm>>
      tpu.wait_dma2 semaphore(%run_scoped3A : memref<!tpu.dma_semaphore, #tpu.memory_space<semaphore_mem>>) src(%dma_wait3A_90 : memref<512xi32, #tpu.memory_space<hbm>>) dst(%dma_wait3A_89 : memref<512xi32, #tpu.memory_space<vmem>>)
      tpu.yield
    }) : () -> ()
    %dma_start3A = arith.constant 0 : i32
    %dma_start3A_5 = tpu.memref_slice %arg7[%dma_start3A] : memref<64032xi32, #tpu.memory_space<vmem>> -> memref<64000xi32, #tpu.memory_space<vmem>>
    %dma_start3A_6 = arith.constant 0 : i32
    %dma_start3A_7 = tpu.memref_slice %arg7[%dma_start3A_6] : memref<64032xi32, #tpu.memory_space<vmem>> -> memref<64000xi32, #tpu.memory_space<vmem>>
    tpu.enqueue_dma source(%arg5 : memref<64000xi32, #tpu.memory_space<hbm>>) target(%dma_start3A_7 : memref<64000xi32, #tpu.memory_space<vmem>>) target_semaphore(%arg14 : memref<!tpu.dma_semaphore, #tpu.memory_space<semaphore_mem>>)
    tpu.enqueue_dma source(%arg4 : memref<32032xi32, #tpu.memory_space<hbm>>) target(%arg8 : memref<32032xi32, #tpu.memory_space<vmem>>) target_semaphore(%arg14 : memref<!tpu.dma_semaphore, #tpu.memory_space<semaphore_mem>>)
    %broadcast_in_dim3A = arith.constant -9.982440e+08 : bf16
    %broadcast_in_dim3A_8 = vector.broadcast %broadcast_in_dim3A : bf16 to vector<32xbf16>
    %bitcast3A = vector.bitcast %broadcast_in_dim3A_8 : vector<32xbf16> to vector<16xi32>
    %swap3A = arith.constant 64000 : index
    %swap3A_9 = tpu.vector_load %arg7[%swap3A] {strides = array<i32>} : memref<64032xi32, #tpu.memory_space<vmem>>, vector<16xi32>,
    tpu.vector_store %arg7[%swap3A], %bitcast3A {strides = array<i32>} : memref<64032xi32, #tpu.memory_space<vmem>>, vector<16xi32>,
    %swap3A_10 = arith.constant 64016 : index
    %swap3A_11 = tpu.vector_load %arg7[%swap3A_10] {strides = array<i32>} : memref<64032xi32, #tpu.memory_space<vmem>>, vector<16xi32>,
    tpu.vector_store %arg7[%swap3A_10], %bitcast3A {strides = array<i32>} : memref<64032xi32, #tpu.memory_space<vmem>>, vector<16xi32>,
    %iota3A = tpu.iota {dimensions = array<i32: 0>} : vector<16xi32>
    %mul3A_12 = arith.constant 2 : i32
    %mul3A_13 = vector.broadcast %mul3A_12 : i32 to vector<16xi32>
    %mul3A_14 = arith.muli %iota3A, %mul3A_13 : vector<16xi32>
    %and3A = arith.constant 15 : i32
    %and3A_15 = vector.broadcast %and3A : i32 to vector<16xi32>
    %and3A_16 = arith.andi %mul3A_14, %and3A_15 : vector<16xi32>
    %mul3A_17 = arith.constant 2 : i32
    %mul3A_18 = vector.broadcast %mul3A_17 : i32 to vector<16xi32>
    %mul3A_19 = arith.muli %iota3A, %mul3A_18 : vector<16xi32>
    %add3A_20 = arith.constant 1 : i32
    %add3A_21 = vector.broadcast %add3A_20 : i32 to vector<16xi32>
    %add3A_22 = arith.addi %mul3A_19, %add3A_21 : vector<16xi32>
    %and3A_23 = arith.constant 15 : i32
    %and3A_24 = vector.broadcast %and3A_23 : i32 to vector<16xi32>
    %and3A_25 = arith.andi %add3A_22, %and3A_24 : vector<16xi32>
    %mul3A_26 = arith.constant 2 : i32
    %mul3A_27 = vector.broadcast %mul3A_26 : i32 to vector<16xi32>
    %mul3A_28 = arith.muli %iota3A, %mul3A_27 : vector<16xi32>
    %sub3A = arith.constant 4 : i32
    %sub3A_29 = vector.broadcast %sub3A : i32 to vector<16xi32>
    %sub3A_30 = arith.subi %mul3A_28, %sub3A_29 : vector<16xi32>
    %and3A_31 = arith.constant 15 : i32
    %and3A_32 = vector.broadcast %and3A_31 : i32 to vector<16xi32>
    %and3A_33 = arith.andi %sub3A_30, %and3A_32 : vector<16xi32>
    %mul3A_34 = arith.constant 2 : i32
    %mul3A_35 = vector.broadcast %mul3A_34 : i32 to vector<16xi32>
    %mul3A_36 = arith.muli %iota3A, %mul3A_35 : vector<16xi32>
    %sub3A_37 = arith.constant 3 : i32
    %sub3A_38 = vector.broadcast %sub3A_37 : i32 to vector<16xi32>
    %sub3A_39 = arith.subi %mul3A_36, %sub3A_38 : vector<16xi32>
    %and3A_40 = arith.constant 15 : i32
    %and3A_41 = vector.broadcast %and3A_40 : i32 to vector<16xi32>
    %and3A_42 = arith.andi %sub3A_39, %and3A_41 : vector<16xi32>
    %and3A_43 = arith.constant 0 : i32
    %and3A_44 = vector.broadcast %and3A_43 : i32 to vector<16xi32>
    %and3A_45 = arith.andi %iota3A, %and3A_44 : vector<16xi32>
    %lt3A = arith.constant 8 : i32
    %lt3A_46 = vector.broadcast %lt3A : i32 to vector<16xi32>
    %lt3A_47 = arith.cmpi slt, %iota3A, %lt3A_46 : vector<16xi32>
    %lt3A_48 = arith.constant 10 : i32
    %lt3A_49 = vector.broadcast %lt3A_48 : i32 to vector<16xi32>
    %lt3A_50 = arith.cmpi slt, %iota3A, %lt3A_49 : vector<16xi32>
    %scan3A = arith.constant 0 : i32
    %scan3A_51 = arith.constant 512 : i32
    %scan3A_52 = arith.addi %scan3A, %scan3A_51 : i32
    %scan3A_53 = arith.constant 1 : i32
    scf.for %scan3A_79 = %scan3A to %scan3A_52 step %scan3A_53  : i32 {
      %mul3A_80 = arith.constant 20 : i32
      %mul3A_81 = arith.muli %scan3A_79, %mul3A_80 : i32
      %get3A = arith.index_cast %mul3A_81 : i32 to index
      %get3A_82 = tpu.vector_load %arg9[%get3A] {strides = array<i32>} : memref<10240xi32, #tpu.memory_space<vmem>>, vector<16xi32>,
      %mul3A_83 = arith.constant 20 : i32
      %mul3A_84 = arith.muli %scan3A_79, %mul3A_83 : i32
      %add3A_85 = arith.constant 4 : i32
      %add3A_86 = arith.addi %mul3A_84, %add3A_85 : i32
      %get3A_87 = arith.index_cast %add3A_86 : i32 to index
      %get3A_88 = tpu.vector_load %arg9[%get3A_87] {strides = array<i32>} : memref<10240xi32, #tpu.memory_space<vmem>>, vector<16xi32>,
      %broadcast_in_dim3A_89 = vector.shape_cast %and3A_16 : vector<16xi32> to vector<16x1xi32>
      %gather3A = vector.shape_cast %broadcast_in_dim3A_89 : vector<16x1xi32> to vector<16xi32>
      %gather3A_90 = tpu.dynamic_gather %get3A_82[%gather3A] in [0] : vector<16xi32>, vector<16xi32> -> vector<16xi32>
      %broadcast_in_dim3A_91 = vector.shape_cast %and3A_33 : vector<16xi32> to vector<16x1xi32>
      %gather3A_92 = vector.shape_cast %broadcast_in_dim3A_91 : vector<16x1xi32> to vector<16xi32>
      %gather3A_93 = tpu.dynamic_gather %get3A_88[%gather3A_92] in [0] : vector<16xi32>, vector<16xi32> -> vector<16xi32>
      %select_n3A = arith.select %lt3A_47, %gather3A_90, %gather3A_93 : vector<16xi1>, vector<16xi32>
      %broadcast_in_dim3A_94 = vector.shape_cast %and3A_25 : vector<16xi32> to vector<16x1xi32>
      %gather3A_95 = vector.shape_cast %broadcast_in_dim3A_94 : vector<16x1xi32> to vector<16xi32>
      %gather3A_96 = tpu.dynamic_gather %get3A_82[%gather3A_95] in [0] : vector<16xi32>, vector<16xi32> -> vector<16xi32>
      %broadcast_in_dim3A_97 = vector.shape_cast %and3A_42 : vector<16xi32> to vector<16x1xi32>
      %gather3A_98 = vector.shape_cast %broadcast_in_dim3A_97 : vector<16x1xi32> to vector<16xi32>
      %gather3A_99 = tpu.dynamic_gather %get3A_88[%gather3A_98] in [0] : vector<16xi32>, vector<16xi32> -> vector<16xi32>
      %select_n3A_100 = arith.select %lt3A_47, %gather3A_96, %gather3A_99 : vector<16xi1>, vector<16xi32>
      %eq3A = arith.constant 0 : i32
      %eq3A_101 = vector.broadcast %eq3A : i32 to vector<16xi32>
      %eq3A_102 = arith.cmpi eq, %select_n3A, %eq3A_101 : vector<16xi32>
      %jit3A = arith.constant 2000 : i32
      %broadcast_in_dim3A_103 = vector.broadcast %jit3A : i32 to vector<16xi32>
      %select_n3A_104 = arith.select %eq3A_102, %broadcast_in_dim3A_103, %select_n3A : vector<16xi1>, vector<16xi32>
      %mul3A_105 = arith.constant 32 : i32
      %mul3A_106 = vector.broadcast %mul3A_105 : i32 to vector<16xi32>
      %mul3A_107 = arith.muli %select_n3A_104, %mul3A_106 : vector<16xi32>
      %eq3A_108 = arith.constant 0 : i32
      %eq3A_109 = vector.broadcast %eq3A_108 : i32 to vector<16xi32>
      %eq3A_110 = arith.cmpi eq, %select_n3A_100, %eq3A_109 : vector<16xi32>
      %jit3A_111 = arith.constant 2000 : i32
      %broadcast_in_dim3A_112 = vector.broadcast %jit3A_111 : i32 to vector<16xi32>
      %select_n3A_113 = arith.select %eq3A_110, %broadcast_in_dim3A_112, %select_n3A_100 : vector<16xi1>, vector<16xi32>
      %mul3A_114 = arith.constant 32 : i32
      %mul3A_115 = vector.broadcast %mul3A_114 : i32 to vector<16xi32>
      %mul3A_116 = arith.muli %select_n3A_113, %mul3A_115 : vector<16xi32>
      %shift_left3A = arith.constant 16 : i32
      %shift_left3A_117 = vector.broadcast %shift_left3A : i32 to vector<16xi32>
      %shift_left3A_118 = arith.shli %mul3A_116, %shift_left3A_117 : vector<16xi32>
      %or3A = arith.ori %mul3A_107, %shift_left3A_118 : vector<16xi32>
      %get3A_119 = arith.index_cast %scan3A_79 : i32 to index
      %get3A_120 = tpu.vector_load %arg11[%get3A_119] {strides = array<i32>} : memref<528xi32, #tpu.memory_space<vmem>>, vector<16xi32>,
      %broadcast_in_dim3A_121 = vector.shape_cast %and3A_45 : vector<16xi32> to vector<16x1xi32>
      %gather3A_122 = vector.shape_cast %broadcast_in_dim3A_121 : vector<16x1xi32> to vector<16xi32>
      %gather3A_123 = tpu.dynamic_gather %get3A_120[%gather3A_122] in [0] : vector<16xi32>, vector<16xi32> -> vector<16xi32>
      %mul3A_124 = arith.constant 32 : i32
      %mul3A_125 = vector.broadcast %mul3A_124 : i32 to vector<16xi32>
      %mul3A_126 = arith.muli %gather3A_123, %mul3A_125 : vector<16xi32>
      %select_n3A_127 = arith.select %lt3A_50, %or3A, %mul3A_126 : vector<16xi1>, vector<16xi32>
      %mul3A_128 = arith.constant 16 : i32
      %mul3A_129 = arith.muli %scan3A_79, %mul3A_128 : i32
      %swap3A_130 = arith.index_cast %mul3A_129 : i32 to index
      %swap3A_131 = tpu.vector_load %arg10[%swap3A_130] {strides = array<i32>} : memref<8192xi32, #tpu.memory_space<vmem>>, vector<16xi32>,
      tpu.vector_store %arg10[%swap3A_130], %select_n3A_127 {strides = array<i32>} : memref<8192xi32, #tpu.memory_space<vmem>>, vector<16xi32>,
    }
    %scan3A_54 = arith.constant 512 : i32
    %dma_wait3A = arith.constant 0 : i32
    %dma_wait3A_55 = tpu.memref_slice %arg7[%dma_wait3A] : memref<64032xi32, #tpu.memory_space<vmem>> -> memref<64000xi32, #tpu.memory_space<vmem>>
    %dma_wait3A_56 = arith.constant 0 : i32
    %dma_wait3A_57 = tpu.memref_slice %arg7[%dma_wait3A_56] : memref<64032xi32, #tpu.memory_space<vmem>> -> memref<64000xi32, #tpu.memory_space<vmem>>
    tpu.wait_dma2 semaphore(%arg14 : memref<!tpu.dma_semaphore, #tpu.memory_space<semaphore_mem>>) src(%arg5 : memref<64000xi32, #tpu.memory_space<hbm>>) dst(%dma_wait3A_57 : memref<64000xi32, #tpu.memory_space<vmem>>)
    tpu.wait_dma2 semaphore(%arg14 : memref<!tpu.dma_semaphore, #tpu.memory_space<semaphore_mem>>) src(%arg4 : memref<32032xi32, #tpu.memory_space<hbm>>) dst(%arg8 : memref<32032xi32, #tpu.memory_space<vmem>>)
    %scan3A_58 = arith.constant 0 : i32
    %scan3A_59 = arith.constant 16 : i32
    %scan3A_60 = arith.addi %scan3A_58, %scan3A_59 : i32
    %scan3A_61 = arith.constant 1 : i32
    scf.for %scan3A_79 = %scan3A_58 to %scan3A_60 step %scan3A_61  : i32 {
      %rem3A = arith.constant 2 : i32
      %rem3A_80 = arith.remsi %scan3A_79, %rem3A : i32
      %mul3A_81 = arith.constant 4096 : i32
      %mul3A_82 = arith.muli %rem3A_80, %mul3A_81 : i32
      %ge3A = arith.constant 2 : i32
      %ge3A_83 = arith.cmpi sge, %scan3A_79, %ge3A : i32
      %convert_element_type3A = arith.extui %ge3A_83 : i1 to i32
      %cond3A = arith.constant 0 : i32
      %cond3A_84 = arith.cmpi ne, %convert_element_type3A, %cond3A : i32
      scf.if %cond3A_84 {
        %dma_wait3A_103 = arith.constant 0 : i32
        %dma_wait3A_104 = tpu.memref_slice %arg12[%dma_wait3A_103] : memref<8192xf32, #tpu.memory_space<vmem>> -> memref<4096xf32, #tpu.memory_space<vmem>>
        %dma_wait3A_105 = arith.constant 0 : i32
        %dma_wait3A_106 = tpu.memref_slice %arg6[%dma_wait3A_105] : memref<2097152xf32, #tpu.memory_space<hbm>> -> memref<4096xf32, #tpu.memory_space<hbm>>
        %dma_wait3A_107 = arith.constant 0 : i32
        %dma_wait3A_108 = tpu.memref_slice %arg6[%dma_wait3A_107] : memref<2097152xf32, #tpu.memory_space<hbm>> -> memref<4096xf32, #tpu.memory_space<hbm>>
        %dma_wait3A_109 = arith.constant 0 : i32
        %dma_wait3A_110 = tpu.memref_slice %arg12[%dma_wait3A_109] : memref<8192xf32, #tpu.memory_space<vmem>> -> memref<4096xf32, #tpu.memory_space<vmem>>
        tpu.wait_dma2 semaphore(%arg13 : memref<!tpu.dma_semaphore, #tpu.memory_space<semaphore_mem>>) src(%dma_wait3A_110 : memref<4096xf32, #tpu.memory_space<vmem>>) dst(%dma_wait3A_108 : memref<4096xf32, #tpu.memory_space<hbm>>)
      } else {
      }
      %mul3A_85 = arith.constant 2 : i32
      %mul3A_86 = vector.broadcast %mul3A_85 : i32 to vector<16xi32>
      %mul3A_87 = arith.muli %iota3A, %mul3A_86 : vector<16xi32>
      %parallel_loop3A = arith.constant 0 : i32
      %parallel_loop3A_88 = arith.constant 32 : i32
      %parallel_loop3A_89 = arith.constant 1 : i32
      scf.for %parallel_loop3A_103 = %parallel_loop3A to %parallel_loop3A_88 step %parallel_loop3A_89  : i32 {
        %parallel_loop3A_104 = arith.constant 32 : i32
        %parallel_loop3A_105 = arith.muli %scan3A_79, %parallel_loop3A_104 : i32
        %parallel_loop3A_106 = arith.addi %parallel_loop3A_105, %parallel_loop3A_103 : i32
        %parallel_loop3A_107 = arith.constant 16 : i32
        %parallel_loop3A_108 = arith.muli %parallel_loop3A_106, %parallel_loop3A_107 : i32
        %parallel_loop3A_109 = arith.index_cast %parallel_loop3A_108 : i32 to index
        %parallel_loop3A_110 = tpu.vector_load %arg10[%parallel_loop3A_109] {strides = array<i32>} : memref<8192xi32, #tpu.memory_space<vmem>>, vector<16xi32>,
        %parallel_loop3A_111 = vector.extract_strided_slice %parallel_loop3A_110 {offsets = [0], sizes = [1], strides = [1]} : vector<16xi32> to vector<1xi32>
        %parallel_loop3A_112 = vector.extract %parallel_loop3A_111[0] : i32 from vector<1xi32>
        %parallel_loop3A_113 = arith.constant 65535 : i32
        %parallel_loop3A_114 = arith.andi %parallel_loop3A_112, %parallel_loop3A_113 : i32
        %parallel_loop3A_115 = arith.constant 16 : i32
        %parallel_loop3A_116 = arith.shrui %parallel_loop3A_112, %parallel_loop3A_115 : i32
        %parallel_loop3A_117 = vector.extract_strided_slice %parallel_loop3A_110 {offsets = [1], sizes = [1], strides = [1]} : vector<16xi32> to vector<1xi32>
        %parallel_loop3A_118 = vector.extract %parallel_loop3A_117[0] : i32 from vector<1xi32>
        %parallel_loop3A_119 = arith.constant 65535 : i32
        %parallel_loop3A_120 = arith.andi %parallel_loop3A_118, %parallel_loop3A_119 : i32
        %parallel_loop3A_121 = arith.constant 16 : i32
        %parallel_loop3A_122 = arith.shrui %parallel_loop3A_118, %parallel_loop3A_121 : i32
        %parallel_loop3A_123 = vector.extract_strided_slice %parallel_loop3A_110 {offsets = [2], sizes = [1], strides = [1]} : vector<16xi32> to vector<1xi32>
        %parallel_loop3A_124 = vector.extract %parallel_loop3A_123[0] : i32 from vector<1xi32>
        %parallel_loop3A_125 = arith.constant 65535 : i32
        %parallel_loop3A_126 = arith.andi %parallel_loop3A_124, %parallel_loop3A_125 : i32
        %parallel_loop3A_127 = arith.constant 16 : i32
        %parallel_loop3A_128 = arith.shrui %parallel_loop3A_124, %parallel_loop3A_127 : i32
        %parallel_loop3A_129 = vector.extract_strided_slice %parallel_loop3A_110 {offsets = [3], sizes = [1], strides = [1]} : vector<16xi32> to vector<1xi32>
        %parallel_loop3A_130 = vector.extract %parallel_loop3A_129[0] : i32 from vector<1xi32>
        %parallel_loop3A_131 = arith.constant 65535 : i32
        %parallel_loop3A_132 = arith.andi %parallel_loop3A_130, %parallel_loop3A_131 : i32
        %parallel_loop3A_133 = arith.constant 16 : i32
        %parallel_loop3A_134 = arith.shrui %parallel_loop3A_130, %parallel_loop3A_133 : i32
        %parallel_loop3A_135 = vector.extract_strided_slice %parallel_loop3A_110 {offsets = [4], sizes = [1], strides = [1]} : vector<16xi32> to vector<1xi32>
        %parallel_loop3A_136 = vector.extract %parallel_loop3A_135[0] : i32 from vector<1xi32>
        %parallel_loop3A_137 = arith.constant 65535 : i32
        %parallel_loop3A_138 = arith.andi %parallel_loop3A_136, %parallel_loop3A_137 : i32
        %parallel_loop3A_139 = arith.constant 16 : i32
        %parallel_loop3A_140 = arith.shrui %parallel_loop3A_136, %parallel_loop3A_139 : i32
        %parallel_loop3A_141 = vector.extract_strided_slice %parallel_loop3A_110 {offsets = [5], sizes = [1], strides = [1]} : vector<16xi32> to vector<1xi32>
        %parallel_loop3A_142 = vector.extract %parallel_loop3A_141[0] : i32 from vector<1xi32>
        %parallel_loop3A_143 = arith.constant 65535 : i32
        %parallel_loop3A_144 = arith.andi %parallel_loop3A_142, %parallel_loop3A_143 : i32
        %parallel_loop3A_145 = arith.constant 16 : i32
        %parallel_loop3A_146 = arith.shrui %parallel_loop3A_142, %parallel_loop3A_145 : i32
        %parallel_loop3A_147 = vector.extract_strided_slice %parallel_loop3A_110 {offsets = [6], sizes = [1], strides = [1]} : vector<16xi32> to vector<1xi32>
        %parallel_loop3A_148 = vector.extract %parallel_loop3A_147[0] : i32 from vector<1xi32>
        %parallel_loop3A_149 = arith.constant 65535 : i32
        %parallel_loop3A_150 = arith.andi %parallel_loop3A_148, %parallel_loop3A_149 : i32
        %parallel_loop3A_151 = arith.constant 16 : i32
        %parallel_loop3A_152 = arith.shrui %parallel_loop3A_148, %parallel_loop3A_151 : i32
        %parallel_loop3A_153 = vector.extract_strided_slice %parallel_loop3A_110 {offsets = [7], sizes = [1], strides = [1]} : vector<16xi32> to vector<1xi32>
        %parallel_loop3A_154 = vector.extract %parallel_loop3A_153[0] : i32 from vector<1xi32>
        %parallel_loop3A_155 = arith.constant 65535 : i32
        %parallel_loop3A_156 = arith.andi %parallel_loop3A_154, %parallel_loop3A_155 : i32
        %parallel_loop3A_157 = arith.constant 16 : i32
        %parallel_loop3A_158 = arith.shrui %parallel_loop3A_154, %parallel_loop3A_157 : i32
        %parallel_loop3A_159 = vector.extract_strided_slice %parallel_loop3A_110 {offsets = [8], sizes = [1], strides = [1]} : vector<16xi32> to vector<1xi32>
        %parallel_loop3A_160 = vector.extract %parallel_loop3A_159[0] : i32 from vector<1xi32>
        %parallel_loop3A_161 = arith.constant 65535 : i32
        %parallel_loop3A_162 = arith.andi %parallel_loop3A_160, %parallel_loop3A_161 : i32
        %parallel_loop3A_163 = arith.constant 16 : i32
        %parallel_loop3A_164 = arith.shrui %parallel_loop3A_160, %parallel_loop3A_163 : i32
        %parallel_loop3A_165 = vector.extract_strided_slice %parallel_loop3A_110 {offsets = [9], sizes = [1], strides = [1]} : vector<16xi32> to vector<1xi32>
        %parallel_loop3A_166 = vector.extract %parallel_loop3A_165[0] : i32 from vector<1xi32>
        %parallel_loop3A_167 = arith.constant 65535 : i32
        %parallel_loop3A_168 = arith.andi %parallel_loop3A_166, %parallel_loop3A_167 : i32
        %parallel_loop3A_169 = arith.constant 16 : i32
        %parallel_loop3A_170 = arith.shrui %parallel_loop3A_166, %parallel_loop3A_169 : i32
        %parallel_loop3A_171 = vector.extract_strided_slice %parallel_loop3A_110 {offsets = [10], sizes = [1], strides = [1]} : vector<16xi32> to vector<1xi32>
        %parallel_loop3A_172 = vector.extract %parallel_loop3A_171[0] : i32 from vector<1xi32>
        %parallel_loop3A_173 = arith.constant 2 : i32
        %parallel_loop3A_174 = arith.muli %parallel_loop3A_103, %parallel_loop3A_173 : i32
        %parallel_loop3A_175 = arith.constant 64 : i32
        %parallel_loop3A_176 = arith.muli %parallel_loop3A_174, %parallel_loop3A_175 : i32
        %parallel_loop3A_177 = arith.addi %mul3A_82, %parallel_loop3A_176 : i32
        %parallel_loop3A_178 = arith.constant 0 : i32
        %parallel_loop3A_179 = arith.addi %parallel_loop3A_114, %parallel_loop3A_178 : i32
        %parallel_loop3A_180 = arith.index_cast %parallel_loop3A_179 : i32 to index
        %parallel_loop3A_181 = tpu.vector_load %arg7[%parallel_loop3A_180] {strides = array<i32>} : memref<64032xi32, #tpu.memory_space<vmem>>, vector<16xi32>,
        %parallel_loop3A_182 = vector.bitcast %parallel_loop3A_181 : vector<16xi32> to vector<32xbf16>
        %parallel_loop3A_183 = arith.constant 0 : i32
        %parallel_loop3A_184 = arith.addi %parallel_loop3A_116, %parallel_loop3A_183 : i32
        %parallel_loop3A_185 = arith.index_cast %parallel_loop3A_184 : i32 to index
        %parallel_loop3A_186 = tpu.vector_load %arg7[%parallel_loop3A_185] {strides = array<i32>} : memref<64032xi32, #tpu.memory_space<vmem>>, vector<16xi32>,
        %parallel_loop3A_187 = vector.bitcast %parallel_loop3A_186 : vector<16xi32> to vector<32xbf16>
        %parallel_loop3A_188 = arith.constant 0 : i32
        %parallel_loop3A_189 = arith.addi %parallel_loop3A_120, %parallel_loop3A_188 : i32
        %parallel_loop3A_190 = arith.index_cast %parallel_loop3A_189 : i32 to index
        %parallel_loop3A_191 = tpu.vector_load %arg7[%parallel_loop3A_190] {strides = array<i32>} : memref<64032xi32, #tpu.memory_space<vmem>>, vector<16xi32>,
        %parallel_loop3A_192 = vector.bitcast %parallel_loop3A_191 : vector<16xi32> to vector<32xbf16>
        %parallel_loop3A_193 = arith.constant 0 : i32
        %parallel_loop3A_194 = arith.addi %parallel_loop3A_122, %parallel_loop3A_193 : i32
        %parallel_loop3A_195 = arith.index_cast %parallel_loop3A_194 : i32 to index
        %parallel_loop3A_196 = tpu.vector_load %arg7[%parallel_loop3A_195] {strides = array<i32>} : memref<64032xi32, #tpu.memory_space<vmem>>, vector<16xi32>,
        %parallel_loop3A_197 = vector.bitcast %parallel_loop3A_196 : vector<16xi32> to vector<32xbf16>
        %parallel_loop3A_198 = arith.constant 0 : i32
        %parallel_loop3A_199 = arith.addi %parallel_loop3A_126, %parallel_loop3A_198 : i32
        %parallel_loop3A_200 = arith.index_cast %parallel_loop3A_199 : i32 to index
        %parallel_loop3A_201 = tpu.vector_load %arg7[%parallel_loop3A_200] {strides = array<i32>} : memref<64032xi32, #tpu.memory_space<vmem>>, vector<16xi32>,
        %parallel_loop3A_202 = vector.bitcast %parallel_loop3A_201 : vector<16xi32> to vector<32xbf16>
        %parallel_loop3A_203 = arith.constant 0 : i32
        %parallel_loop3A_204 = arith.addi %parallel_loop3A_128, %parallel_loop3A_203 : i32
        %parallel_loop3A_205 = arith.index_cast %parallel_loop3A_204 : i32 to index
        %parallel_loop3A_206 = tpu.vector_load %arg7[%parallel_loop3A_205] {strides = array<i32>} : memref<64032xi32, #tpu.memory_space<vmem>>, vector<16xi32>,
        %parallel_loop3A_207 = vector.bitcast %parallel_loop3A_206 : vector<16xi32> to vector<32xbf16>
        %parallel_loop3A_208 = arith.constant 0 : i32
        %parallel_loop3A_209 = arith.addi %parallel_loop3A_132, %parallel_loop3A_208 : i32
        %parallel_loop3A_210 = arith.index_cast %parallel_loop3A_209 : i32 to index
        %parallel_loop3A_211 = tpu.vector_load %arg7[%parallel_loop3A_210] {strides = array<i32>} : memref<64032xi32, #tpu.memory_space<vmem>>, vector<16xi32>,
        %parallel_loop3A_212 = vector.bitcast %parallel_loop3A_211 : vector<16xi32> to vector<32xbf16>
        %parallel_loop3A_213 = arith.constant 0 : i32
        %parallel_loop3A_214 = arith.addi %parallel_loop3A_134, %parallel_loop3A_213 : i32
        %parallel_loop3A_215 = arith.index_cast %parallel_loop3A_214 : i32 to index
        %parallel_loop3A_216 = tpu.vector_load %arg7[%parallel_loop3A_215] {strides = array<i32>} : memref<64032xi32, #tpu.memory_space<vmem>>, vector<16xi32>,
        %parallel_loop3A_217 = vector.bitcast %parallel_loop3A_216 : vector<16xi32> to vector<32xbf16>
        %parallel_loop3A_218 = arith.constant 0 : i32
        %parallel_loop3A_219 = arith.addi %parallel_loop3A_138, %parallel_loop3A_218 : i32
        %parallel_loop3A_220 = arith.index_cast %parallel_loop3A_219 : i32 to index
        %parallel_loop3A_221 = tpu.vector_load %arg7[%parallel_loop3A_220] {strides = array<i32>} : memref<64032xi32, #tpu.memory_space<vmem>>, vector<16xi32>,
        %parallel_loop3A_222 = vector.bitcast %parallel_loop3A_221 : vector<16xi32> to vector<32xbf16>
        %parallel_loop3A_223 = arith.constant 0 : i32
        %parallel_loop3A_224 = arith.addi %parallel_loop3A_140, %parallel_loop3A_223 : i32
        %parallel_loop3A_225 = arith.index_cast %parallel_loop3A_224 : i32 to index
        %parallel_loop3A_226 = tpu.vector_load %arg7[%parallel_loop3A_225] {strides = array<i32>} : memref<64032xi32, #tpu.memory_space<vmem>>, vector<16xi32>,
        %parallel_loop3A_227 = vector.bitcast %parallel_loop3A_226 : vector<16xi32> to vector<32xbf16>
        %parallel_loop3A_228 = arith.constant 0 : i32
        %parallel_loop3A_229 = arith.addi %parallel_loop3A_144, %parallel_loop3A_228 : i32
        %parallel_loop3A_230 = arith.index_cast %parallel_loop3A_229 : i32 to index
        %parallel_loop3A_231 = tpu.vector_load %arg7[%parallel_loop3A_230] {strides = array<i32>} : memref<64032xi32, #tpu.memory_space<vmem>>, vector<16xi32>,
        %parallel_loop3A_232 = vector.bitcast %parallel_loop3A_231 : vector<16xi32> to vector<32xbf16>
        %parallel_loop3A_233 = arith.constant 0 : i32
        %parallel_loop3A_234 = arith.addi %parallel_loop3A_146, %parallel_loop3A_233 : i32
        %parallel_loop3A_235 = arith.index_cast %parallel_loop3A_234 : i32 to index
        %parallel_loop3A_236 = tpu.vector_load %arg7[%parallel_loop3A_235] {strides = array<i32>} : memref<64032xi32, #tpu.memory_space<vmem>>, vector<16xi32>,
        %parallel_loop3A_237 = vector.bitcast %parallel_loop3A_236 : vector<16xi32> to vector<32xbf16>
        %parallel_loop3A_238 = arith.constant 0 : i32
        %parallel_loop3A_239 = arith.addi %parallel_loop3A_150, %parallel_loop3A_238 : i32
        %parallel_loop3A_240 = arith.index_cast %parallel_loop3A_239 : i32 to index
        %parallel_loop3A_241 = tpu.vector_load %arg7[%parallel_loop3A_240] {strides = array<i32>} : memref<64032xi32, #tpu.memory_space<vmem>>, vector<16xi32>,
        %parallel_loop3A_242 = vector.bitcast %parallel_loop3A_241 : vector<16xi32> to vector<32xbf16>
        %parallel_loop3A_243 = arith.constant 0 : i32
        %parallel_loop3A_244 = arith.addi %parallel_loop3A_152, %parallel_loop3A_243 : i32
        %parallel_loop3A_245 = arith.index_cast %parallel_loop3A_244 : i32 to index
        %parallel_loop3A_246 = tpu.vector_load %arg7[%parallel_loop3A_245] {strides = array<i32>} : memref<64032xi32, #tpu.memory_space<vmem>>, vector<16xi32>,
        %parallel_loop3A_247 = vector.bitcast %parallel_loop3A_246 : vector<16xi32> to vector<32xbf16>
        %parallel_loop3A_248 = arith.constant 0 : i32
        %parallel_loop3A_249 = arith.addi %parallel_loop3A_156, %parallel_loop3A_248 : i32
        %parallel_loop3A_250 = arith.index_cast %parallel_loop3A_249 : i32 to index
        %parallel_loop3A_251 = tpu.vector_load %arg7[%parallel_loop3A_250] {strides = array<i32>} : memref<64032xi32, #tpu.memory_space<vmem>>, vector<16xi32>,
        %parallel_loop3A_252 = vector.bitcast %parallel_loop3A_251 : vector<16xi32> to vector<32xbf16>
        %parallel_loop3A_253 = arith.constant 0 : i32
        %parallel_loop3A_254 = arith.addi %parallel_loop3A_158, %parallel_loop3A_253 : i32
        %parallel_loop3A_255 = arith.index_cast %parallel_loop3A_254 : i32 to index
        %parallel_loop3A_256 = tpu.vector_load %arg7[%parallel_loop3A_255] {strides = array<i32>} : memref<64032xi32, #tpu.memory_space<vmem>>, vector<16xi32>,
        %parallel_loop3A_257 = vector.bitcast %parallel_loop3A_256 : vector<16xi32> to vector<32xbf16>
        %parallel_loop3A_258 = arith.constant 0 : i32
        %parallel_loop3A_259 = arith.addi %parallel_loop3A_162, %parallel_loop3A_258 : i32
        %parallel_loop3A_260 = arith.index_cast %parallel_loop3A_259 : i32 to index
        %parallel_loop3A_261 = tpu.vector_load %arg7[%parallel_loop3A_260] {strides = array<i32>} : memref<64032xi32, #tpu.memory_space<vmem>>, vector<16xi32>,
        %parallel_loop3A_262 = vector.bitcast %parallel_loop3A_261 : vector<16xi32> to vector<32xbf16>
        %parallel_loop3A_263 = arith.constant 0 : i32
        %parallel_loop3A_264 = arith.addi %parallel_loop3A_164, %parallel_loop3A_263 : i32
        %parallel_loop3A_265 = arith.index_cast %parallel_loop3A_264 : i32 to index
        %parallel_loop3A_266 = tpu.vector_load %arg7[%parallel_loop3A_265] {strides = array<i32>} : memref<64032xi32, #tpu.memory_space<vmem>>, vector<16xi32>,
        %parallel_loop3A_267 = vector.bitcast %parallel_loop3A_266 : vector<16xi32> to vector<32xbf16>
        %parallel_loop3A_268 = arith.constant 0 : i32
        %parallel_loop3A_269 = arith.addi %parallel_loop3A_168, %parallel_loop3A_268 : i32
        %parallel_loop3A_270 = arith.index_cast %parallel_loop3A_269 : i32 to index
        %parallel_loop3A_271 = tpu.vector_load %arg7[%parallel_loop3A_270] {strides = array<i32>} : memref<64032xi32, #tpu.memory_space<vmem>>, vector<16xi32>,
        %parallel_loop3A_272 = vector.bitcast %parallel_loop3A_271 : vector<16xi32> to vector<32xbf16>
        %parallel_loop3A_273 = arith.constant 0 : i32
        %parallel_loop3A_274 = arith.addi %parallel_loop3A_170, %parallel_loop3A_273 : i32
        %parallel_loop3A_275 = arith.index_cast %parallel_loop3A_274 : i32 to index
        %parallel_loop3A_276 = tpu.vector_load %arg7[%parallel_loop3A_275] {strides = array<i32>} : memref<64032xi32, #tpu.memory_space<vmem>>, vector<16xi32>,
        %parallel_loop3A_277 = vector.bitcast %parallel_loop3A_276 : vector<16xi32> to vector<32xbf16>
        %parallel_loop3A_278 = arith.maximumf %parallel_loop3A_182, %parallel_loop3A_187 : vector<32xbf16>
        %parallel_loop3A_279 = arith.maximumf %parallel_loop3A_192, %parallel_loop3A_197 : vector<32xbf16>
        %parallel_loop3A_280 = arith.maximumf %parallel_loop3A_202, %parallel_loop3A_207 : vector<32xbf16>
        %parallel_loop3A_281 = arith.maximumf %parallel_loop3A_212, %parallel_loop3A_217 : vector<32xbf16>
        %parallel_loop3A_282 = arith.maximumf %parallel_loop3A_222, %parallel_loop3A_227 : vector<32xbf16>
        %parallel_loop3A_283 = arith.maximumf %parallel_loop3A_232, %parallel_loop3A_237 : vector<32xbf16>
        %parallel_loop3A_284 = arith.maximumf %parallel_loop3A_242, %parallel_loop3A_247 : vector<32xbf16>
        %parallel_loop3A_285 = arith.maximumf %parallel_loop3A_252, %parallel_loop3A_257 : vector<32xbf16>
        %parallel_loop3A_286 = arith.maximumf %parallel_loop3A_262, %parallel_loop3A_267 : vector<32xbf16>
        %parallel_loop3A_287 = arith.maximumf %parallel_loop3A_272, %parallel_loop3A_277 : vector<32xbf16>
        %parallel_loop3A_288 = arith.maximumf %parallel_loop3A_278, %parallel_loop3A_279 : vector<32xbf16>
        %parallel_loop3A_289 = arith.maximumf %parallel_loop3A_280, %parallel_loop3A_281 : vector<32xbf16>
        %parallel_loop3A_290 = arith.maximumf %parallel_loop3A_282, %parallel_loop3A_283 : vector<32xbf16>
        %parallel_loop3A_291 = arith.maximumf %parallel_loop3A_284, %parallel_loop3A_285 : vector<32xbf16>
        %parallel_loop3A_292 = arith.maximumf %parallel_loop3A_286, %parallel_loop3A_287 : vector<32xbf16>
        %parallel_loop3A_293 = arith.maximumf %parallel_loop3A_288, %parallel_loop3A_289 : vector<32xbf16>
        %parallel_loop3A_294 = arith.maximumf %parallel_loop3A_290, %parallel_loop3A_291 : vector<32xbf16>
        %parallel_loop3A_295 = arith.maximumf %parallel_loop3A_293, %parallel_loop3A_294 : vector<32xbf16>
        %parallel_loop3A_296 = arith.maximumf %parallel_loop3A_295, %parallel_loop3A_292 : vector<32xbf16>
        %parallel_loop3A_297 = vector.bitcast %parallel_loop3A_296 : vector<32xbf16> to vector<16xi32>
        %parallel_loop3A_298 = arith.constant 64 : i32
        %parallel_loop3A_299 = arith.addi %parallel_loop3A_177, %parallel_loop3A_298 : i32
        %parallel_loop3A_300 = arith.constant 0 : i32
        %parallel_loop3A_301 = arith.addi %parallel_loop3A_299, %parallel_loop3A_300 : i32
        %parallel_loop3A_302 = vector.broadcast %parallel_loop3A_301 : i32 to vector<16xi32>
        %parallel_loop3A_303 = arith.addi %mul3A_87, %parallel_loop3A_302 : vector<16xi32>
        %parallel_loop3A_304 = arith.constant 16 : i32
        %parallel_loop3A_305 = vector.broadcast %parallel_loop3A_304 : i32 to vector<16xi32>
        %parallel_loop3A_306 = arith.shli %parallel_loop3A_297, %parallel_loop3A_305 : vector<16xi32>
        %parallel_loop3A_307 = vector.bitcast %parallel_loop3A_306 : vector<16xi32> to vector<16xf32>
        tpu.vector_store_idx %arg12[%parallel_loop3A_303], %parallel_loop3A_307 : memref<8192xf32, #tpu.memory_space<vmem>>[vector<16xi32>], vector<16xf32>,
        %parallel_loop3A_308 = arith.constant 1 : i32
        %parallel_loop3A_309 = arith.addi %parallel_loop3A_301, %parallel_loop3A_308 : i32
        %parallel_loop3A_310 = vector.broadcast %parallel_loop3A_309 : i32 to vector<16xi32>
        %parallel_loop3A_311 = arith.addi %mul3A_87, %parallel_loop3A_310 : vector<16xi32>
        %parallel_loop3A_312 = arith.constant -65536 : i32
        %parallel_loop3A_313 = vector.broadcast %parallel_loop3A_312 : i32 to vector<16xi32>
        %parallel_loop3A_314 = arith.andi %parallel_loop3A_297, %parallel_loop3A_313 : vector<16xi32>
        %parallel_loop3A_315 = vector.bitcast %parallel_loop3A_314 : vector<16xi32> to vector<16xf32>
        tpu.vector_store_idx %arg12[%parallel_loop3A_311], %parallel_loop3A_315 : memref<8192xf32, #tpu.memory_space<vmem>>[vector<16xi32>], vector<16xf32>,
        %parallel_loop3A_316 = arith.constant 0 : i32
        %parallel_loop3A_317 = arith.addi %parallel_loop3A_172, %parallel_loop3A_316 : i32
        %parallel_loop3A_318 = arith.index_cast %parallel_loop3A_317 : i32 to index
        %parallel_loop3A_319 = tpu.vector_load %arg8[%parallel_loop3A_318] {strides = array<i32>} : memref<32032xi32, #tpu.memory_space<vmem>>, vector<16xi32>,
        %parallel_loop3A_320 = arith.constant 0 : i32
        %parallel_loop3A_321 = arith.addi %parallel_loop3A_177, %parallel_loop3A_320 : i32
        %parallel_loop3A_322 = vector.broadcast %parallel_loop3A_321 : i32 to vector<16xi32>
        %parallel_loop3A_323 = arith.addi %mul3A_87, %parallel_loop3A_322 : vector<16xi32>
        %parallel_loop3A_324 = arith.constant 16 : i32
        %parallel_loop3A_325 = vector.broadcast %parallel_loop3A_324 : i32 to vector<16xi32>
        %parallel_loop3A_326 = arith.shli %parallel_loop3A_319, %parallel_loop3A_325 : vector<16xi32>
        %parallel_loop3A_327 = vector.bitcast %parallel_loop3A_326 : vector<16xi32> to vector<16xf32>
        tpu.vector_store_idx %arg12[%parallel_loop3A_323], %parallel_loop3A_327 : memref<8192xf32, #tpu.memory_space<vmem>>[vector<16xi32>], vector<16xf32>,
        %parallel_loop3A_328 = arith.constant 1 : i32
        %parallel_loop3A_329 = arith.addi %parallel_loop3A_321, %parallel_loop3A_328 : i32
        %parallel_loop3A_330 = vector.broadcast %parallel_loop3A_329 : i32 to vector<16xi32>
        %parallel_loop3A_331 = arith.addi %mul3A_87, %parallel_loop3A_330 : vector<16xi32>
        %parallel_loop3A_332 = arith.constant -65536 : i32
        %parallel_loop3A_333 = vector.broadcast %parallel_loop3A_332 : i32 to vector<16xi32>
        %parallel_loop3A_334 = arith.andi %parallel_loop3A_319, %parallel_loop3A_333 : vector<16xi32>
        %parallel_loop3A_335 = vector.bitcast %parallel_loop3A_334 : vector<16xi32> to vector<16xf32>
        tpu.vector_store_idx %arg12[%parallel_loop3A_331], %parallel_loop3A_335 : memref<8192xf32, #tpu.memory_space<vmem>>[vector<16xi32>], vector<16xf32>,
        %parallel_loop3A_336 = arith.constant 16 : i32
        %parallel_loop3A_337 = arith.addi %parallel_loop3A_114, %parallel_loop3A_336 : i32
        %parallel_loop3A_338 = arith.index_cast %parallel_loop3A_337 : i32 to index
        %parallel_loop3A_339 = tpu.vector_load %arg7[%parallel_loop3A_338] {strides = array<i32>} : memref<64032xi32, #tpu.memory_space<vmem>>, vector<16xi32>,
        %parallel_loop3A_340 = vector.bitcast %parallel_loop3A_339 : vector<16xi32> to vector<32xbf16>
        %parallel_loop3A_341 = arith.constant 16 : i32
        %parallel_loop3A_342 = arith.addi %parallel_loop3A_116, %parallel_loop3A_341 : i32
        %parallel_loop3A_343 = arith.index_cast %parallel_loop3A_342 : i32 to index
        %parallel_loop3A_344 = tpu.vector_load %arg7[%parallel_loop3A_343] {strides = array<i32>} : memref<64032xi32, #tpu.memory_space<vmem>>, vector<16xi32>,
        %parallel_loop3A_345 = vector.bitcast %parallel_loop3A_344 : vector<16xi32> to vector<32xbf16>
        %parallel_loop3A_346 = arith.constant 16 : i32
        %parallel_loop3A_347 = arith.addi %parallel_loop3A_120, %parallel_loop3A_346 : i32
        %parallel_loop3A_348 = arith.index_cast %parallel_loop3A_347 : i32 to index
        %parallel_loop3A_349 = tpu.vector_load %arg7[%parallel_loop3A_348] {strides = array<i32>} : memref<64032xi32, #tpu.memory_space<vmem>>, vector<16xi32>,
        %parallel_loop3A_350 = vector.bitcast %parallel_loop3A_349 : vector<16xi32> to vector<32xbf16>
        %parallel_loop3A_351 = arith.constant 16 : i32
        %parallel_loop3A_352 = arith.addi %parallel_loop3A_122, %parallel_loop3A_351 : i32
        %parallel_loop3A_353 = arith.index_cast %parallel_loop3A_352 : i32 to index
        %parallel_loop3A_354 = tpu.vector_load %arg7[%parallel_loop3A_353] {strides = array<i32>} : memref<64032xi32, #tpu.memory_space<vmem>>, vector<16xi32>,
        %parallel_loop3A_355 = vector.bitcast %parallel_loop3A_354 : vector<16xi32> to vector<32xbf16>
        %parallel_loop3A_356 = arith.constant 16 : i32
        %parallel_loop3A_357 = arith.addi %parallel_loop3A_126, %parallel_loop3A_356 : i32
        %parallel_loop3A_358 = arith.index_cast %parallel_loop3A_357 : i32 to index
        %parallel_loop3A_359 = tpu.vector_load %arg7[%parallel_loop3A_358] {strides = array<i32>} : memref<64032xi32, #tpu.memory_space<vmem>>, vector<16xi32>,
        %parallel_loop3A_360 = vector.bitcast %parallel_loop3A_359 : vector<16xi32> to vector<32xbf16>
        %parallel_loop3A_361 = arith.constant 16 : i32
        %parallel_loop3A_362 = arith.addi %parallel_loop3A_128, %parallel_loop3A_361 : i32
        %parallel_loop3A_363 = arith.index_cast %parallel_loop3A_362 : i32 to index
        %parallel_loop3A_364 = tpu.vector_load %arg7[%parallel_loop3A_363] {strides = array<i32>} : memref<64032xi32, #tpu.memory_space<vmem>>, vector<16xi32>,
        %parallel_loop3A_365 = vector.bitcast %parallel_loop3A_364 : vector<16xi32> to vector<32xbf16>
        %parallel_loop3A_366 = arith.constant 16 : i32
        %parallel_loop3A_367 = arith.addi %parallel_loop3A_132, %parallel_loop3A_366 : i32
        %parallel_loop3A_368 = arith.index_cast %parallel_loop3A_367 : i32 to index
        %parallel_loop3A_369 = tpu.vector_load %arg7[%parallel_loop3A_368] {strides = array<i32>} : memref<64032xi32, #tpu.memory_space<vmem>>, vector<16xi32>,
        %parallel_loop3A_370 = vector.bitcast %parallel_loop3A_369 : vector<16xi32> to vector<32xbf16>
        %parallel_loop3A_371 = arith.constant 16 : i32
        %parallel_loop3A_372 = arith.addi %parallel_loop3A_134, %parallel_loop3A_371 : i32
        %parallel_loop3A_373 = arith.index_cast %parallel_loop3A_372 : i32 to index
        %parallel_loop3A_374 = tpu.vector_load %arg7[%parallel_loop3A_373] {strides = array<i32>} : memref<64032xi32, #tpu.memory_space<vmem>>, vector<16xi32>,
        %parallel_loop3A_375 = vector.bitcast %parallel_loop3A_374 : vector<16xi32> to vector<32xbf16>
        %parallel_loop3A_376 = arith.constant 16 : i32
        %parallel_loop3A_377 = arith.addi %parallel_loop3A_138, %parallel_loop3A_376 : i32
        %parallel_loop3A_378 = arith.index_cast %parallel_loop3A_377 : i32 to index
        %parallel_loop3A_379 = tpu.vector_load %arg7[%parallel_loop3A_378] {strides = array<i32>} : memref<64032xi32, #tpu.memory_space<vmem>>, vector<16xi32>,
        %parallel_loop3A_380 = vector.bitcast %parallel_loop3A_379 : vector<16xi32> to vector<32xbf16>
        %parallel_loop3A_381 = arith.constant 16 : i32
        %parallel_loop3A_382 = arith.addi %parallel_loop3A_140, %parallel_loop3A_381 : i32
        %parallel_loop3A_383 = arith.index_cast %parallel_loop3A_382 : i32 to index
        %parallel_loop3A_384 = tpu.vector_load %arg7[%parallel_loop3A_383] {strides = array<i32>} : memref<64032xi32, #tpu.memory_space<vmem>>, vector<16xi32>,
        %parallel_loop3A_385 = vector.bitcast %parallel_loop3A_384 : vector<16xi32> to vector<32xbf16>
        %parallel_loop3A_386 = arith.constant 16 : i32
        %parallel_loop3A_387 = arith.addi %parallel_loop3A_144, %parallel_loop3A_386 : i32
        %parallel_loop3A_388 = arith.index_cast %parallel_loop3A_387 : i32 to index
        %parallel_loop3A_389 = tpu.vector_load %arg7[%parallel_loop3A_388] {strides = array<i32>} : memref<64032xi32, #tpu.memory_space<vmem>>, vector<16xi32>,
        %parallel_loop3A_390 = vector.bitcast %parallel_loop3A_389 : vector<16xi32> to vector<32xbf16>
        %parallel_loop3A_391 = arith.constant 16 : i32
        %parallel_loop3A_392 = arith.addi %parallel_loop3A_146, %parallel_loop3A_391 : i32
        %parallel_loop3A_393 = arith.index_cast %parallel_loop3A_392 : i32 to index
        %parallel_loop3A_394 = tpu.vector_load %arg7[%parallel_loop3A_393] {strides = array<i32>} : memref<64032xi32, #tpu.memory_space<vmem>>, vector<16xi32>,
        %parallel_loop3A_395 = vector.bitcast %parallel_loop3A_394 : vector<16xi32> to vector<32xbf16>
        %parallel_loop3A_396 = arith.constant 16 : i32
        %parallel_loop3A_397 = arith.addi %parallel_loop3A_150, %parallel_loop3A_396 : i32
        %parallel_loop3A_398 = arith.index_cast %parallel_loop3A_397 : i32 to index
        %parallel_loop3A_399 = tpu.vector_load %arg7[%parallel_loop3A_398] {strides = array<i32>} : memref<64032xi32, #tpu.memory_space<vmem>>, vector<16xi32>,
        %parallel_loop3A_400 = vector.bitcast %parallel_loop3A_399 : vector<16xi32> to vector<32xbf16>
        %parallel_loop3A_401 = arith.constant 16 : i32
        %parallel_loop3A_402 = arith.addi %parallel_loop3A_152, %parallel_loop3A_401 : i32
        %parallel_loop3A_403 = arith.index_cast %parallel_loop3A_402 : i32 to index
        %parallel_loop3A_404 = tpu.vector_load %arg7[%parallel_loop3A_403] {strides = array<i32>} : memref<64032xi32, #tpu.memory_space<vmem>>, vector<16xi32>,
        %parallel_loop3A_405 = vector.bitcast %parallel_loop3A_404 : vector<16xi32> to vector<32xbf16>
        %parallel_loop3A_406 = arith.constant 16 : i32
        %parallel_loop3A_407 = arith.addi %parallel_loop3A_156, %parallel_loop3A_406 : i32
        %parallel_loop3A_408 = arith.index_cast %parallel_loop3A_407 : i32 to index
        %parallel_loop3A_409 = tpu.vector_load %arg7[%parallel_loop3A_408] {strides = array<i32>} : memref<64032xi32, #tpu.memory_space<vmem>>, vector<16xi32>,
        %parallel_loop3A_410 = vector.bitcast %parallel_loop3A_409 : vector<16xi32> to vector<32xbf16>
        %parallel_loop3A_411 = arith.constant 16 : i32
        %parallel_loop3A_412 = arith.addi %parallel_loop3A_158, %parallel_loop3A_411 : i32
        %parallel_loop3A_413 = arith.index_cast %parallel_loop3A_412 : i32 to index
        %parallel_loop3A_414 = tpu.vector_load %arg7[%parallel_loop3A_413] {strides = array<i32>} : memref<64032xi32, #tpu.memory_space<vmem>>, vector<16xi32>,
        %parallel_loop3A_415 = vector.bitcast %parallel_loop3A_414 : vector<16xi32> to vector<32xbf16>
        %parallel_loop3A_416 = arith.constant 16 : i32
        %parallel_loop3A_417 = arith.addi %parallel_loop3A_162, %parallel_loop3A_416 : i32
        %parallel_loop3A_418 = arith.index_cast %parallel_loop3A_417 : i32 to index
        %parallel_loop3A_419 = tpu.vector_load %arg7[%parallel_loop3A_418] {strides = array<i32>} : memref<64032xi32, #tpu.memory_space<vmem>>, vector<16xi32>,
        %parallel_loop3A_420 = vector.bitcast %parallel_loop3A_419 : vector<16xi32> to vector<32xbf16>
        %parallel_loop3A_421 = arith.constant 16 : i32
        %parallel_loop3A_422 = arith.addi %parallel_loop3A_164, %parallel_loop3A_421 : i32
        %parallel_loop3A_423 = arith.index_cast %parallel_loop3A_422 : i32 to index
        %parallel_loop3A_424 = tpu.vector_load %arg7[%parallel_loop3A_423] {strides = array<i32>} : memref<64032xi32, #tpu.memory_space<vmem>>, vector<16xi32>,
        %parallel_loop3A_425 = vector.bitcast %parallel_loop3A_424 : vector<16xi32> to vector<32xbf16>
        %parallel_loop3A_426 = arith.constant 16 : i32
        %parallel_loop3A_427 = arith.addi %parallel_loop3A_168, %parallel_loop3A_426 : i32
        %parallel_loop3A_428 = arith.index_cast %parallel_loop3A_427 : i32 to index
        %parallel_loop3A_429 = tpu.vector_load %arg7[%parallel_loop3A_428] {strides = array<i32>} : memref<64032xi32, #tpu.memory_space<vmem>>, vector<16xi32>,
        %parallel_loop3A_430 = vector.bitcast %parallel_loop3A_429 : vector<16xi32> to vector<32xbf16>
        %parallel_loop3A_431 = arith.constant 16 : i32
        %parallel_loop3A_432 = arith.addi %parallel_loop3A_170, %parallel_loop3A_431 : i32
        %parallel_loop3A_433 = arith.index_cast %parallel_loop3A_432 : i32 to index
        %parallel_loop3A_434 = tpu.vector_load %arg7[%parallel_loop3A_433] {strides = array<i32>} : memref<64032xi32, #tpu.memory_space<vmem>>, vector<16xi32>,
        %parallel_loop3A_435 = vector.bitcast %parallel_loop3A_434 : vector<16xi32> to vector<32xbf16>
        %parallel_loop3A_436 = arith.maximumf %parallel_loop3A_340, %parallel_loop3A_345 : vector<32xbf16>
        %parallel_loop3A_437 = arith.maximumf %parallel_loop3A_350, %parallel_loop3A_355 : vector<32xbf16>
        %parallel_loop3A_438 = arith.maximumf %parallel_loop3A_360, %parallel_loop3A_365 : vector<32xbf16>
        %parallel_loop3A_439 = arith.maximumf %parallel_loop3A_370, %parallel_loop3A_375 : vector<32xbf16>
        %parallel_loop3A_440 = arith.maximumf %parallel_loop3A_380, %parallel_loop3A_385 : vector<32xbf16>
        %parallel_loop3A_441 = arith.maximumf %parallel_loop3A_390, %parallel_loop3A_395 : vector<32xbf16>
        %parallel_loop3A_442 = arith.maximumf %parallel_loop3A_400, %parallel_loop3A_405 : vector<32xbf16>
        %parallel_loop3A_443 = arith.maximumf %parallel_loop3A_410, %parallel_loop3A_415 : vector<32xbf16>
        %parallel_loop3A_444 = arith.maximumf %parallel_loop3A_420, %parallel_loop3A_425 : vector<32xbf16>
        %parallel_loop3A_445 = arith.maximumf %parallel_loop3A_430, %parallel_loop3A_435 : vector<32xbf16>
        %parallel_loop3A_446 = arith.maximumf %parallel_loop3A_436, %parallel_loop3A_437 : vector<32xbf16>
        %parallel_loop3A_447 = arith.maximumf %parallel_loop3A_438, %parallel_loop3A_439 : vector<32xbf16>
        %parallel_loop3A_448 = arith.maximumf %parallel_loop3A_440, %parallel_loop3A_441 : vector<32xbf16>
        %parallel_loop3A_449 = arith.maximumf %parallel_loop3A_442, %parallel_loop3A_443 : vector<32xbf16>
        %parallel_loop3A_450 = arith.maximumf %parallel_loop3A_444, %parallel_loop3A_445 : vector<32xbf16>
        %parallel_loop3A_451 = arith.maximumf %parallel_loop3A_446, %parallel_loop3A_447 : vector<32xbf16>
        %parallel_loop3A_452 = arith.maximumf %parallel_loop3A_448, %parallel_loop3A_449 : vector<32xbf16>
        %parallel_loop3A_453 = arith.maximumf %parallel_loop3A_451, %parallel_loop3A_452 : vector<32xbf16>
        %parallel_loop3A_454 = arith.maximumf %parallel_loop3A_453, %parallel_loop3A_450 : vector<32xbf16>
        %parallel_loop3A_455 = vector.bitcast %parallel_loop3A_454 : vector<32xbf16> to vector<16xi32>
        %parallel_loop3A_456 = arith.constant 64 : i32
        %parallel_loop3A_457 = arith.addi %parallel_loop3A_177, %parallel_loop3A_456 : i32
        %parallel_loop3A_458 = arith.constant 32 : i32
        %parallel_loop3A_459 = arith.addi %parallel_loop3A_457, %parallel_loop3A_458 : i32
        %parallel_loop3A_460 = vector.broadcast %parallel_loop3A_459 : i32 to vector<16xi32>
        %parallel_loop3A_461 = arith.addi %mul3A_87, %parallel_loop3A_460 : vector<16xi32>
        %parallel_loop3A_462 = arith.constant 16 : i32
        %parallel_loop3A_463 = vector.broadcast %parallel_loop3A_462 : i32 to vector<16xi32>
        %parallel_loop3A_464 = arith.shli %parallel_loop3A_455, %parallel_loop3A_463 : vector<16xi32>
        %parallel_loop3A_465 = vector.bitcast %parallel_loop3A_464 : vector<16xi32> to vector<16xf32>
        tpu.vector_store_idx %arg12[%parallel_loop3A_461], %parallel_loop3A_465 : memref<8192xf32, #tpu.memory_space<vmem>>[vector<16xi32>], vector<16xf32>,
        %parallel_loop3A_466 = arith.constant 1 : i32
        %parallel_loop3A_467 = arith.addi %parallel_loop3A_459, %parallel_loop3A_466 : i32
        %parallel_loop3A_468 = vector.broadcast %parallel_loop3A_467 : i32 to vector<16xi32>
        %parallel_loop3A_469 = arith.addi %mul3A_87, %parallel_loop3A_468 : vector<16xi32>
        %parallel_loop3A_470 = arith.constant -65536 : i32
        %parallel_loop3A_471 = vector.broadcast %parallel_loop3A_470 : i32 to vector<16xi32>
        %parallel_loop3A_472 = arith.andi %parallel_loop3A_455, %parallel_loop3A_471 : vector<16xi32>
        %parallel_loop3A_473 = vector.bitcast %parallel_loop3A_472 : vector<16xi32> to vector<16xf32>
        tpu.vector_store_idx %arg12[%parallel_loop3A_469], %parallel_loop3A_473 : memref<8192xf32, #tpu.memory_space<vmem>>[vector<16xi32>], vector<16xf32>,
        %parallel_loop3A_474 = arith.constant 16 : i32
        %parallel_loop3A_475 = arith.addi %parallel_loop3A_172, %parallel_loop3A_474 : i32
        %parallel_loop3A_476 = arith.index_cast %parallel_loop3A_475 : i32 to index
        %parallel_loop3A_477 = tpu.vector_load %arg8[%parallel_loop3A_476] {strides = array<i32>} : memref<32032xi32, #tpu.memory_space<vmem>>, vector<16xi32>,
        %parallel_loop3A_478 = arith.constant 32 : i32
        %parallel_loop3A_479 = arith.addi %parallel_loop3A_177, %parallel_loop3A_478 : i32
        %parallel_loop3A_480 = vector.broadcast %parallel_loop3A_479 : i32 to vector<16xi32>
        %parallel_loop3A_481 = arith.addi %mul3A_87, %parallel_loop3A_480 : vector<16xi32>
        %parallel_loop3A_482 = arith.constant 16 : i32
        %parallel_loop3A_483 = vector.broadcast %parallel_loop3A_482 : i32 to vector<16xi32>
        %parallel_loop3A_484 = arith.shli %parallel_loop3A_477, %parallel_loop3A_483 : vector<16xi32>
        %parallel_loop3A_485 = vector.bitcast %parallel_loop3A_484 : vector<16xi32> to vector<16xf32>
        tpu.vector_store_idx %arg12[%parallel_loop3A_481], %parallel_loop3A_485 : memref<8192xf32, #tpu.memory_space<vmem>>[vector<16xi32>], vector<16xf32>,
        %parallel_loop3A_486 = arith.constant 1 : i32
        %parallel_loop3A_487 = arith.addi %parallel_loop3A_479, %parallel_loop3A_486 : i32
        %parallel_loop3A_488 = vector.broadcast %parallel_loop3A_487 : i32 to vector<16xi32>
        %parallel_loop3A_489 = arith.addi %mul3A_87, %parallel_loop3A_488 : vector<16xi32>
        %parallel_loop3A_490 = arith.constant -65536 : i32
        %parallel_loop3A_491 = vector.broadcast %parallel_loop3A_490 : i32 to vector<16xi32>
        %parallel_loop3A_492 = arith.andi %parallel_loop3A_477, %parallel_loop3A_491 : vector<16xi32>
        %parallel_loop3A_493 = vector.bitcast %parallel_loop3A_492 : vector<16xi32> to vector<16xf32>
        tpu.vector_store_idx %arg12[%parallel_loop3A_489], %parallel_loop3A_493 : memref<8192xf32, #tpu.memory_space<vmem>>[vector<16xi32>], vector<16xf32>,
      } {sc.loop_unroll_factor = 2 : i64, sc.parallel_access}
      %mul3A_90 = arith.constant 512 : i32
      %mul3A_91 = arith.muli %add3A, %mul3A_90 : i32
      %mul3A_92 = arith.constant 32 : i32
      %mul3A_93 = arith.muli %scan3A_79, %mul3A_92 : i32
      %add3A_94 = arith.addi %mul3A_91, %mul3A_93 : i32
      %mul3A_95 = arith.constant 2 : i32
      %mul3A_96 = arith.muli %add3A_94, %mul3A_95 : i32
      %mul3A_97 = arith.constant 64 : i32
      %mul3A_98 = arith.muli %mul3A_96, %mul3A_97 : i32
      %dma_start3A_99 = tpu.memref_slice %arg12[%mul3A_82] : memref<8192xf32, #tpu.memory_space<vmem>> -> memref<4096xf32, #tpu.memory_space<vmem>>
      %dma_start3A_100 = tpu.memref_slice %arg6[%mul3A_98] : memref<2097152xf32, #tpu.memory_space<hbm>> -> memref<4096xf32, #tpu.memory_space<hbm>>
      %dma_start3A_101 = tpu.memref_slice %arg6[%mul3A_98] : memref<2097152xf32, #tpu.memory_space<hbm>> -> memref<4096xf32, #tpu.memory_space<hbm>>
      %dma_start3A_102 = tpu.memref_slice %arg12[%mul3A_82] : memref<8192xf32, #tpu.memory_space<vmem>> -> memref<4096xf32, #tpu.memory_space<vmem>>
      tpu.enqueue_dma source(%dma_start3A_102 : memref<4096xf32, #tpu.memory_space<vmem>>) target(%dma_start3A_101 : memref<4096xf32, #tpu.memory_space<hbm>>) target_semaphore(%arg13 : memref<!tpu.dma_semaphore, #tpu.memory_space<semaphore_mem>>)
    }
    %scan3A_62 = arith.constant 16 : i32
    %dma_wait3A_63 = arith.constant 0 : i32
    %dma_wait3A_64 = tpu.memref_slice %arg12[%dma_wait3A_63] : memref<8192xf32, #tpu.memory_space<vmem>> -> memref<4096xf32, #tpu.memory_space<vmem>>
    %dma_wait3A_65 = arith.constant 0 : i32
    %dma_wait3A_66 = tpu.memref_slice %arg6[%dma_wait3A_65] : memref<2097152xf32, #tpu.memory_space<hbm>> -> memref<4096xf32, #tpu.memory_space<hbm>>
    %dma_wait3A_67 = arith.constant 0 : i32
    %dma_wait3A_68 = tpu.memref_slice %arg6[%dma_wait3A_67] : memref<2097152xf32, #tpu.memory_space<hbm>> -> memref<4096xf32, #tpu.memory_space<hbm>>
    %dma_wait3A_69 = arith.constant 0 : i32
    %dma_wait3A_70 = tpu.memref_slice %arg12[%dma_wait3A_69] : memref<8192xf32, #tpu.memory_space<vmem>> -> memref<4096xf32, #tpu.memory_space<vmem>>
    tpu.wait_dma2 semaphore(%arg13 : memref<!tpu.dma_semaphore, #tpu.memory_space<semaphore_mem>>) src(%dma_wait3A_70 : memref<4096xf32, #tpu.memory_space<vmem>>) dst(%dma_wait3A_68 : memref<4096xf32, #tpu.memory_space<hbm>>)
    %dma_wait3A_71 = arith.constant 0 : i32
    %dma_wait3A_72 = tpu.memref_slice %arg12[%dma_wait3A_71] : memref<8192xf32, #tpu.memory_space<vmem>> -> memref<4096xf32, #tpu.memory_space<vmem>>
    %dma_wait3A_73 = arith.constant 0 : i32
    %dma_wait3A_74 = tpu.memref_slice %arg6[%dma_wait3A_73] : memref<2097152xf32, #tpu.memory_space<hbm>> -> memref<4096xf32, #tpu.memory_space<hbm>>
    %dma_wait3A_75 = arith.constant 0 : i32
    %dma_wait3A_76 = tpu.memref_slice %arg6[%dma_wait3A_75] : memref<2097152xf32, #tpu.memory_space<hbm>> -> memref<4096xf32, #tpu.memory_space<hbm>>
    %dma_wait3A_77 = arith.constant 0 : i32
    %dma_wait3A_78 = tpu.memref_slice %arg12[%dma_wait3A_77] : memref<8192xf32, #tpu.memory_space<vmem>> -> memref<4096xf32, #tpu.memory_space<vmem>>
    tpu.wait_dma2 semaphore(%arg13 : memref<!tpu.dma_semaphore, #tpu.memory_space<semaphore_mem>>) src(%dma_wait3A_78 : memref<4096xf32, #tpu.memory_space<vmem>>) dst(%dma_wait3A_76 : memref<4096xf32, #tpu.memory_space<hbm>>)
    return
  }
}

</mosaic_0001>

<sc_bundles>
// kernel: _run.3.cloned.1.call-start
scs
__scs_entry_jumppad:
0x0: {  	(pc) =	sbr.rel $0x88, $3  }
0x1: {  	(tag) =	ssettag $0x0;
	lr =	simm.s32 $0x1  }
0x2: {  	[smem:$0x3F9D] =	sst lr;
	_ =	strace $0xD0000000  }
0x3: {  	_ = 	snop  }
0x4: {  	_ = 	snop  }
0x5: {  	_ = 	snop  }
0x6: {  	_ = 	snop  }
0x7: {  	_ = 	snop  }
__scs_overlays_trampoline_lowered:
0x8: {  	[smem:$0x3FAC] =	sst s0  }
0x9: {  	[smem:$0x3FAD] =	sst s1  }
0xa: {  	[smem:$0x3FAE] =	sst s2  }
0xb: {  	[smem:$0x3FAF] =	sst s3  }
0xc: {  	[smem:$0x3FB0] =	sst s4  }
0xd: {  	[smem:$0x3FB1] =	sst s5  }
0xe: {  	[smem:$0x3FB2] =	sst s6  }
0xf: {  	[smem:$0x3FB3] =	sst s7  }
0x10: {  	[smem:$0x3FB4] =	sst s8  }
0x11: {  	[smem:$0x3FB5] =	sst s9;
	s0 =	simm.s32 @!p0 $0x0  }
0x12: {  	s1 =	sld [smem:$0x3F9B];
	s0 =	simm.s32 @p0 $0x1  }
0x13: {  	[smem:$0x3FB6] =	sst s0;
	s0 =	simm.s32 @!p1 $0x0  }
0x14: {  	s2 =	sld [smem:$0x3F9A];
	s0 =	simm.s32 @p1 $0x1  }
0x15: {  	[smem:$0x3FB7] =	sst s0;
	s0 =	simm.s32 @!p2 $0x0  }
0x16: {  	s3 =	sld [smem:$0x3FDB];
	s0 =	simm.s32 @p2 $0x1  }
0x17: {  	s4 =	simm.s32 $0x1BF5;
	[smem:$0x3FB9] =	sst s0  }
0x18: {  	s0 =	sld [smem:$0x3F9C];
	_ =	swait.ge [sflag:s4], $0x0  }
0x19: {  	s7 =	sld [smem:$0x3F9D]  }
0x1a: {  	s8 =	sadd.s32 $0xFFFFE003, lr  }
0x1b: {  	s9 =	sadd.s32 $0xFFFFFEF7, lr;
	s5 =	simm.s32 $0xFFFFFFFF;
	p2 =	slt.u32 s8, $0xFFFFF086  }
0x1c: {  	p1 =	slt.u32 s9, $0xF7A;
	s5 =	simm.s32 @!p2 $0x0  }
0x1d: {  	s5 =	simm.s32 @p1 $0x1;
	p0 =	seq.s32 s7, s2  }
0x1e: {  	s7 =	smul.u32 @!p0 $0xF7A, s2;
	p2 =	seq.s32 @!p0 s5, $0x0  }
0x1f: {  	s9 =	smul.u32 $0xF7A, s1;
	s8 =	simm.s32 @!p0 $0x1BF5;
	p2 =	por !p2, p0  }
0x20: {  	[sflag:s8] =	ssyncset.s32 @!p0 $0xFFFFF086;
	s6 =	sadd.s32 @!p0 s3, s7;
	s7 =	simm.s32 @!p0 $0x108  }
0x21: {  	s3 =	sadd.s32 s3, s9;
	s6 =	sadd.s32 @!p0 $0x88, s6;
	s7 =	simm.s32 @p2 $0x1082  }
0x22: {  	[simem:s7], [sflag:s8] =	dma.local @!p0 [hbm:s6], $0xF7A  }
0x23: {  	s9 =	sor.u32 $0xD0000000, s2;
	s6 =	simm.s32 $0x108;
	_ =	swait.ge @!p0 [sflag:s8], $0x0  }
0x24: {  	s3 =	sadd.s32 $0x88, s3;
	s6 =	simm.s32 @!p1 $0x1082;
	[sflag:s4] =	ssyncset.s32 $0xFFFFF086  }
0x25: {  	[simem:s6], [sflag:s4] =	dma.local [hbm:s3], $0xF7A  }
0x26: {  	[smem:$0x3F9D] =	sst s1;
	(tag) =	ssettag s2;
	_ =	strace s9  }
0x27: {  	s1 =	sld [smem:$0x3FAD]  }
0x28: {  	s2 =	sld [smem:$0x3FAE]  }
0x29: {  	s4 =	sld [smem:$0x3FB0]  }
0x2a: {  	p0 =	seq.s32 s5, $0x0;
	s5 =	sld [smem:$0x3FB1]  }
0x2b: {  	s6 =	sld [smem:$0x3FB2]  }
0x2c: {  	s7 =	sld [smem:$0x3FB3]  }
0x2d: {  	s3 =	simm.s32 $0x108;
	s8 =	sld [smem:$0x3FB4]  }
0x2e: {  	s3 =	simm.s32 @!p0 $0x1082;
	s9 =	sld [smem:$0x3FB5]  }
0x2f: {  	lr =	sadd.s32 s0, s3;
	s0 =	sld [smem:$0x3FAC]  }
0x30: {  	s3 =	sld [smem:$0x3FAF]  }
0x31: {  	[smem:$0x3FB8] =	sst s10  }
0x32: {  	s10 =	sld [smem:$0x3FB6];
	_ =	sdelay $0x3  }
0x33: {  	p0 =	seq.s32 s10, $0x1;
	s10 =	sld [smem:$0x3FB8];
	_ =	sdelay $0x3  }
0x34: {  	[smem:$0x3FB8] =	sst s10  }
0x35: {  	s10 =	sld [smem:$0x3FB7];
	_ =	sdelay $0x3  }
0x36: {  	p1 =	seq.s32 s10, $0x1;
	s10 =	sld [smem:$0x3FB8];
	_ =	sdelay $0x3  }
0x37: {  	[smem:$0x3FB8] =	sst s10  }
0x38: {  	s10 =	sld [smem:$0x3FB9]  }
0x39: {  	_ = 	snop;
	(pc) =	sbr.ind lr, $3  }
0x3a: {  	_ = 	snop  }
0x3b: {  	_ = 	snop  }
0x3c: {  	p2 =	seq.s32 s10, $0x1;
	s10 =	sld [smem:$0x3FB8]  }
0x3d: {  	_ =	shalt  }
0x3e: {  	_ =	shalt  }
0x3f: {  	_ =	shalt  }
0x40: {  	_ =	shalt  }
0x41: {  	_ =	shalt  }
0x42: {  	_ =	shalt  }
0x43: {  	_ =	shalt  }
0x44: {  	_ =	shalt  }
0x45: {  	_ =	shalt  }
0x46: {  	_ =	shalt  }
0x47: {  	_ =	shalt  }
0x48: {  	_ =	shalt  }
0x49: {  	_ =	shalt  }
0x4a: {  	_ =	shalt  }
0x4b: {  	_ =	shalt  }
0x4c: {  	_ =	shalt  }
0x4d: {  	_ =	shalt  }
0x4e: {  	_ =	shalt  }
0x4f: {  	_ =	shalt  }
0x50: {  	_ =	shalt  }
0x51: {  	_ =	shalt  }
0x52: {  	_ =	shalt  }
0x53: {  	_ =	shalt  }
0x54: {  	_ =	shalt  }
0x55: {  	_ =	shalt  }
0x56: {  	_ =	shalt  }
0x57: {  	_ =	shalt  }
0x58: {  	_ =	shalt  }
0x59: {  	_ =	shalt  }
0x5a: {  	_ =	shalt  }
0x5b: {  	_ =	shalt  }
0x5c: {  	_ =	shalt  }
0x5d: {  	_ =	shalt  }
0x5e: {  	_ =	shalt  }
0x5f: {  	_ =	shalt  }
0x60: {  	_ =	shalt  }
0x61: {  	_ =	shalt  }
0x62: {  	_ =	shalt  }
0x63: {  	_ =	shalt  }
0x64: {  	_ =	shalt  }
0x65: {  	_ =	shalt  }
0x66: {  	_ =	shalt  }
0x67: {  	_ =	shalt  }
0x68: {  	_ =	shalt  }
0x69: {  	_ =	shalt  }
0x6a: {  	_ =	shalt  }
0x6b: {  	_ =	shalt  }
0x6c: {  	_ =	shalt  }
0x6d: {  	_ =	shalt  }
0x6e: {  	_ =	shalt  }
0x6f: {  	_ =	shalt  }
0x70: {  	_ =	shalt  }
0x71: {  	_ =	shalt  }
0x72: {  	_ =	shalt  }
0x73: {  	_ =	shalt  }
0x74: {  	_ =	shalt  }
0x75: {  	_ =	shalt  }
0x76: {  	_ =	shalt  }
0x77: {  	_ =	shalt  }
0x78: {  	_ =	shalt  }
0x79: {  	_ =	shalt  }
0x7a: {  	_ =	shalt  }
0x7b: {  	_ =	shalt  }
0x7c: {  	_ =	shalt  }
0x7d: {  	_ =	shalt  }
0x7e: {  	_ =	shalt  }
0x7f: {  	_ =	shalt  }
0x80: {  	_ =	shalt  }
0x81: {  	_ =	shalt  }
0x82: {  	_ =	shalt  }
0x83: {  	_ =	shalt  }
0x84: {  	_ =	shalt  }
0x85: {  	_ =	shalt  }
0x86: {  	_ =	shalt  }
0x87: {  	_ =	shalt  }
.Lfunc_end0:
.L_simem_size_0:
called_computation_lowered:
.L_overlay_start_0:
0x88: {  	s2 =	sld [smem:$0x3FD9]  }
0x89: {  	s3 =	sld [smem:$0x3FFE];
	_ =	sdelay $0x1  }
0x8a: {  	s1 =	srdreg.scid  }
0x8b: {  	s0 =	sand.u32 $0x1, s1  }
0x8c: {  	s18 =	sshll.u32 s0, $0xA;
	s2 =	sadd.s32 s3, s2  }
0x8d: {  	s2 =	sadd.s32 s2, s18  }
0x8e: {  	[smem:$0x3FC4] =	sst s2  }
0x8f: {  	_ = 	snop  }
0x90: {  	s2 =	sld [smem:$0x3FC9]  }
0x91: {  	s19 =	sld [smem:$0x3FC8]  }
0x92: {  	s4 =	sld [smem:$0x3FC7]  }
0x93: {  	s5 =	sld [smem:$0x3FC6]  }
0x94: {  	s6 =	sld [smem:$0x3FD0];
	(tm) =	ssettm $0x1  }
0x95: {  	s7 =	sld [smem:$0x3FFB];
	_ =	sdelay $0x3  }
0x96: {  	_ =	strace s7  }
0x97: {  	s7 =	sld [smem:$0x3FFC];
	_ =	sdelay $0x3  }
0x98: {  	_ =	strace s7  }
0x99: {  	s7 =	sld [smem:$0x3FFD];
	_ =	sdelay $0x3  }
0x9a: {  	_ =	strace s7  }
0x9b: {  	_ =	strace $0x8FFFFFFF  }
0x9c: {  	s20 =	sld [smem:$0x3FDB];
	_ =	sdelay $0x1  }
0x9d: {  	s8 =	simm.s32 $_scs_section_size  }
0x9e: {  	s9 =	simm.s32 $_size__tile_overlayer_lowered;
	s10 =	simm.s32 $_tile_overlayer_lowered  }
0x9f: {  	s23 =	simm.s32 $0x1BFF;
	s22 =	sshll.u32 s10, $0x1;
	s7 =	sadd.s32 s8, s20  }
0xa0: {  	s11 =	simm.s32 $0x0;
	s21 =	sshll.u32 s9, $0x1;
	s9 =	sadd.s32 s22, s7  }
0xa1: {  	[timem:s11], [sflag:s23] =	dma.local [hbm:s9], s21  }
0xa2: {  	_ =	swait.ge [sflag:s23], s21  }
0xa3: {  	s8 =	ssub.s32 $0x0, s21;
	[sflag:s23] =	ssyncset.done $0x0  }
0xa4: {  	[sflag:s23] =	ssyncadd.s32 s8;
	_ =	sdelay $0x1  }
0xa5: {  	s24 =	simm.s32 $0x1B8B  }
0xa6: {  	_ =	swait.ge [sflag:s24], $0x1  }
0xa7: {  	[sflag:s24] =	ssyncset.done $0x0  }
0xa8: {  	s25 =	simm.s32 $0x1B8E;
	[sflag:s24] =	ssyncadd.s32 $0xFFFFFFFF  }
0xa9: {  	s26 =	simm.s32 $execute0_lowered;
	[smem:$0x3FD2] =	sst s25  }
0xaa: {  	s8 =	sshll.u32 s26, $0x1;
	_ =	strace $0x80000046;
	[dreg:$0x1] =	wrdreg $0xFFFFFFFF  }
0xab: {  	s28 =	simm.s32 $_size_execute0_lowered;
	s7 =	sadd.s32 s7, s8;
	[dreg:$0x0] =	wrdreg $0x0  }
0xac: {  	s8 =	sshll.u32 s28, $0x1;
	[dreg:$0x2] =	wrdreg s7  }
0xad: {  	[dreg:$0x3] =	wrdreg s8  }
0xae: {  	[dreg:$0x4] =	wrdreg $0xC0  }
0xaf: {  	_ =	task [dreg:s11], $0x5FFFF  }
0xb0: {  	[dreg:$0x1] =	wrdreg $0xFFFFFFFF  }
0xb1: {  	[dreg:$0x0] =	wrdreg $0x60  }
0xb2: {  	[dreg:$0x2] =	wrdreg s2  }
0xb3: {  	[dreg:$0x3] =	wrdreg s19  }
0xb4: {  	[dreg:$0x4] =	wrdreg s4  }
0xb5: {  	[dreg:$0x5] =	wrdreg s5  }
0xb6: {  	[dreg:$0x6] =	wrdreg s6  }
0xb7: {  	[dreg:$0x7] =	wrdreg $0x9  }
0xb8: {  	_ =	task.clear_ibuf [dreg:s11], $0x8FFFF;
	_ =	strace $0x90000046  }
0xb9: {  	s29 =	simm.s32 $0x9;
	_ =	strace $0x80000048  }
0xba: {  	_ =	swait.ge [sflag:s29], $0x1  }
0xbb: {  	[sflag:s29] =	ssyncadd.s32 $0xFFFFFFFF  }
0xbc: {  	_ =	strace $0x90000048  }
0xbd: {  	_ =	sfence  }
0xbe: {  	s30 =	sld [smem:$0x0];
	_ =	sdelay $0x2  }
0xbf: {  	s31 =	sshll.u32 s1, $0xD;
	s1 =	sshrl.u32 s1, $0x2  }
0xc0: {  	s3 =	sand.u32 $0x4000, s31;
	s1 =	sadd.s32 s1, s30  }
0xc1: {  	s0 =	sor.u32 s3, s0;
	s1 =	sshll.u32 s1, $0x11  }
0xc2: {  	s0 =	sor.u32 s1, s0  }
0xc3: {  	s0 =	sadd.s32 $0x8F2B, s0  }
0xc4: {  	[sflag:s0] =	ssyncadd.remote.s32 $0x1  }
0xc5: {  	_ =	sfence.sel $0xFFFF  }
0xc6: {  	[dreg:$0x0] =	wrdreg $0xFFFFFFFF;
	(pc) =	sbr.abs _section_cstart, $3  }
0xc7: {  	[dreg:$0x1] =	wrdreg $0xFFFFFFFF  }
0xc8: {  	_ =	task.clear_ibuf [dreg:s11], $0x2FFFF;
	_ =	strace $0x9FFFFFFF  }
0xc9: {  	(tm) =	ssettm $0x7FFFFFFF  }
tec
execute0_lowered:
.L_overlay_start_1:
0x0: {  	(tag) =	ssettag $0x1  }
0x1: {  	s0 =	rddreg [dreg:$0x0]  }
0x2: {  	s1 =	rddreg [dreg:$0x1]  }
0x3: {  	s3 =	srdreg.scid;
	s4 =	stileid.u32  }
0x4: {  	v4 =	vlaneseq.u32;
	v0 =	vimm.s32 $0xA86420EC;
	s5 =	simm.s32 $0x0;
	s3 =	sand.u32 $0x1, s3;
	s4 =	sshll.u32 s4, $0x1  }
0x5: {  	v3 =	vimm.s32 $0xB97531FD;
	vm0 =	vmmov $0xff;
	vm2 =	vcmask $0x300;
	[smem:$0x7FF] =	sst s5;
	s26 =	ssub.s32 $0x2, s3;
	s3 =	sor.u32 s3, s4  }
0x6: {  	s2 =	rddreg [dreg:$0x4];
	v1 =	vand.u32 $0x7, v4;
	v2 =	vunpack.c.l.s4.s8 v0;
	v5 =	vunpack.c.l.s4.s8 v3;
	_ =	strace $0x80000047;
	s29 =	sshll.u32 s3, $0x6  }
0x7: {  	vm1 =	vmmov $0x3ff;
	v4 =	vmul.u32 $0x2, v4;
	v53 =	vmul.u32 $0x2, v1;
	s6 =	smul.u32 $0x500, s3;
	s3 =	sshll.u32 s3, $0xD;
	s0 =	sadd.s32 s0, s29  }
0x8: {  	v1 =	vimm.s32 $0x0;
	s28 =	sshrl.u32 s26, $0x1;
	v2 =	vunpack.c.0.s8.s32 v2;
	v5 =	vunpack.c.0.s8.s32 v5;
	s30 =	sadd.s32 s2, s3;
	[smem:$0x7FB] =	sst s0  }
0x9: {  	v7 =	vsel vm2, $0x7, v1;
	v8 =	vor.u32 $0x40, v4;
	v9 =	vor.u32 $0x41, v4;
	s4 =	ssub.s32 s26, s28;
	s1 =	sadd.s32 s1, s6;
	[smem:$0x7FC] =	sst s30  }
0xa: {  	v10 =	vor.u32 $0x1, v4;
	v11 =	vor.u32 $0x60, v4;
	v12 =	vor.u32 $0x61, v4;
	s31 =	smax.u32 s4, $0x1;
	[smem:$0x7FA] =	sst s1  }
0xb: {  	v13 =	vor.u32 $0x20, v4;
	v14 =	vor.u32 $0x21, v4;
	v3 =	vor.u32 $0x1, v53;
	s2 =	simm.s32 $0x0;
	[smem:$0x7FD] =	sst s31  }
.LBB2_1:
0xc: {  	s0 =	sld [smem:$0x7FA]  }
0xd: {  	[smem:$0x7F9] =	sst s2  }
0xe: {  	s1 =	simm.s32 $0x0;
	s23 =	simm.s32 $0x17800;
	s24 =	simm.s32 $0x3  }
0xf: {  	[tilespmem:s23], [sflag:$0x3] =	stream.linear.gather [hbm4b:s0+s1], $0x2800, $0x38;
	[tilespmem:$0x1E280] =	vst v63  }
0x10: {  	_ =	swait.ge [sflag:s24], $0x2800  }
0x11: {  	s25 =	sld [smem:$0x7FB]  }
0x12: {  	[sflag:s24] =	ssyncset.done $0x0  }
0x13: {  	s3 =	simm.s32 $0x1C000;
	[sflag:s24] =	ssyncadd.s32 $0xFFFFD800  }
0x14: {  	[tilespmem:s3], [sflag:$0x3] =	stream.linear.gather [hbm4b:s25+s1], $0x200, $0x38;
	[tilespmem:$0x1E280] =	vst v63  }
0x15: {  	_ =	swait.ge [sflag:s24], $0x200  }
0x16: {  	[sflag:s24] =	ssyncset.done $0x0  }
0x17: {  	[sflag:s24] =	ssyncadd.s32 $0xFFFFFE00  }
0x18: {  	s26 =	rddreg [dreg:$0x3]  }
0x19: {  	[tilespmem:s1], [sflag:$0x2] =	stream.linear.gather [hbm4b:s26+s1], $0xFA00, $0x38;
	[tilespmem:$0x1E280] =	vst v63  }
0x1a: {  	s29 =	simm.s32 $0xFA80;
	s28 =	rddreg [dreg:$0x2]  }
0x1b: {  	v0 =	vimm.s32 $0xCE6ECE6E;
	[tilespmem:s29], [sflag:$0x2] =	stream.linear.gather [hbm4b:s28+s1], $0x7D80, $0x38;
	[tilespmem:$0x1E280] =	vst v63  }
0x1c: {  	[tilespmem:$0xFA00] =	vst v0  }
0x1d: {  	s30 =	simm.s32 $0x17804;
	[tilespmem:$0xFA10] =	vst v0  }
0x1e: {  	v15 =	vld [tilespmem:s30+$0x0]  }
0x1f: {  	v16 =	vld [tilespmem:s30+$0xFFFFFFFC];
	_ =	sdelay $0x1  }
0x20: {  	s31 =	simm.s32 $0x0  }
0x21: {  	v17 =	vld [tilespmem:s31+$0x1C000];
	_ =	sdelay $0x1  }
0x22: {  	v18 =	vperm.xlane v16, v53;
	v19 =	vperm.xlane v15, v2  }
0x23: {  	v16 =	vperm.xlane v16, v3;
	v15 =	vperm.xlane v15, v5  }
0x24: {  	v18 =	vsel vm0, v18, v19  }
0x25: {  	v15 =	vsel vm0, v16, v15;
	v16 =	vperm.xlane v17, v1;
	vm2 =	veq.s32 v18, $0x0  }
0x26: {  	v17 =	vshll.u32 v18, $0x5;
	vm3 =	veq.s32 v15, $0x0;
	v15 =	vshll.u32 v15, $0x15  }
0x27: {  	v17 =	vsel vm2, $0xFA00, v17;
	v15 =	vsel vm3, $0xFA000000, v15  }
0x28: {  	v16 =	vshll.u32 v16, $0x5;
	v15 =	vor.u32 v17, v15  }
0x29: {  	s0 =	simm.s32 $0x1A000;
	v15 =	vsel vm1, v15, v16  }
0x2a: {  	s1 =	simm.s32 $0x17818;
	[tilespmem:s0+$0x0] =	vst v15  }
0x2b: {  	v15 =	vld [tilespmem:s1+$0x0]  }
0x2c: {  	v16 =	vld [tilespmem:s1+$0xFFFFFFFC]  }
0x2d: {  	s2 =	simm.s32 $0x4;
	s3 =	simm.s32 $0x8  }
.LBB2_2:
0x2e: {  	p0 =	sne.s32 s3, $0x7FC;
	s4 =	sshra.s32 s2, $0x2;
	s2 =	smov.u32 s3  }
0x2f: {  	v17 =	vld [tilespmem:s4+$0x1C000];
	_ =	sdelay $0x1  }
0x30: {  	v19 =	vperm.xlane v15, v2;
	v18 =	vperm.xlane v16, v53  }
0x31: {  	v15 =	vperm.xlane v15, v5;
	v16 =	vperm.xlane v16, v3  }
0x32: {  	v18 =	vsel vm0, v18, v19  }
0x33: {  	v15 =	vsel vm0, v16, v15;
	vm2 =	veq.s32 v18, $0x0;
	v16 =	vperm.xlane v17, v1  }
0x34: {  	v17 =	vshll.u32 v18, $0x5;
	vm3 =	veq.s32 v15, $0x0;
	v15 =	vshll.u32 v15, $0x15  }
0x35: {  	v17 =	vsel vm2, $0xFA00, v17;
	v15 =	vsel vm3, $0xFA000000, v15  }
0x36: {  	v15 =	vor.u32 v17, v15;
	v16 =	vshll.u32 v16, $0x5  }
.Ltmp0:
0x37: {  	s0 =	sadd.s32 $0x10, s0;
	v15 =	vsel vm1, v15, v16;
	(pc) =	sbr.rel @p0 .LBB2_2-.Ltmp0, $4  }
0x38: {  	s1 =	sadd.s32 $0x14, s1;
	[tilespmem:s0+$0x0] =	vst v15  }
0x39: {  	v15 =	vld [tilespmem:s1+$0x0]  }
0x3a: {  	v16 =	vld [tilespmem:s1+$0xFFFFFFFC]  }
0x3b: {  	s3 =	sadd.s32 $0x4, s3  }
0x3c: {  	s1 =	sshra.s32 s2, $0x2  }
0x3d: {  	v17 =	vld [tilespmem:s1+$0x1C000];
	_ =	sdelay $0x1  }
0x3e: {  	v19 =	vperm.xlane v15, v2;
	v18 =	vperm.xlane v16, v53  }
0x3f: {  	v15 =	vperm.xlane v15, v5;
	v61 =	vperm.xlane v16, v3  }
0x40: {  	v18 =	vsel vm0, v18, v19  }
0x41: {  	v15 =	vsel vm0, v61, v15;
	vm2 =	veq.s32 v18, $0x0;
	v62 =	vperm.xlane v17, v1  }
0x42: {  	v63 =	vshll.u32 v18, $0x5;
	vm3 =	veq.s32 v15, $0x0;
	v15 =	vshll.u32 v15, $0x15  }
0x43: {  	v17 =	vsel vm2, $0xFA00, v63;
	v15 =	vsel vm3, $0xFA000000, v15  }
0x44: {  	v15 =	vor.u32 v17, v15;
	v16 =	vshll.u32 v62, $0x5  }
0x45: {  	s0 =	sadd.s32 $0x10, s0;
	v15 =	vsel vm1, v15, v16  }
0x46: {  	s31 =	simm.s32 $0x2;
	[tilespmem:s0+$0x0] =	vst v15  }
0x47: {  	_ =	swait.ge [sflag:s31], $0xFA00  }
0x48: {  	[sflag:s31] =	ssyncset.done $0x0  }
0x49: {  	[sflag:s31] =	ssyncadd.s32 $0xFFFF0600  }
0x4a: {  	_ =	swait.ge [sflag:s31], $0x7D80  }
0x4b: {  	s3 =	simm.s32 $0x0;
	[sflag:s31] =	ssyncset.done $0x0  }
0x4c: {  	p0 =	por $0x0, $0x0;
	s1 =	simm.s32 $0x1A010;
	[sflag:s31] =	ssyncadd.s32 $0xFFFF8280  }
.LBB2_4:
0x4d: {  	[smem:$0x7CF] =	sst s1;
	p1 =	slt.u32 s3, $0x2  }
0x4e: {  	[smem:$0x7F6] =	sst s3;
	s0 =	simm.s32 @!p1 $0x1  }
0x4f: {  	_ =	swait.ge @!p1 [sflag:s0], $0x1000  }
0x50: {  	[sflag:s0] =	ssyncset.done @!p1 $0x0  }
0x51: {  	[sflag:s0] =	ssyncadd.s32 @!p1 $0xFFFFF000  }
0x52: {  	v15 =	vld [tilespmem:s1+$0x0]  }
0x53: {  	v16 =	vld [tilespmem:s1+$0xFFFFFFF0];
	_ =	sdelay $0x3  }
0x54: {  	(v2sf) =	vpush v15, $0x8  }
0x55: {  	(v2sf) =	vpush v16, $0x0  }
0x56: {  	(v2sf) =	vpush v15, $0x0  }
0x57: {  	(v2sf) =	vpush v16, $0x1  }
0x58: {  	(v2sf) =	vpush v15, $0x1  }
0x59: {  	(v2sf) =	vpush v16, $0x2  }
0x5a: {  	(v2sf) =	vpush v15, $0x2  }
0x5b: {  	(v2sf) =	vpush v16, $0x3  }
0x5c: {  	(v2sf) =	vpush v15, $0x3  }
0x5d: {  	(v2sf) =	vpush v16, $0x4  }
0x5e: {  	(v2sf) =	vpush v15, $0x4  }
0x5f: {  	(v2sf) =	vpush v16, $0x5  }
0x60: {  	(v2sf) =	vpush v15, $0x5  }
0x61: {  	(v2sf) =	vpush v16, $0x6  }
0x62: {  	(v2sf) =	vpush v15, $0x6  }
0x63: {  	(v2sf) =	vpush v16, $0x7;
	s26 =	spop (v2sf)  }
0x64: {  	s11 =	sand.u32 $0xFFFF, s26;
	s29 =	spop (v2sf);
	(v2sf) =	vpush v15, $0x7  }
0x65: {  	s13 =	sshrl.u32 s26, $0x10;
	v18 =	vld [tilespmem:s11+$0x0];
	(v2sf) =	vpush v16, $0x8;
	s28 =	spop (v2sf)  }
0x66: {  	v19 =	vld [tilespmem:s13+$0x0];
	s16 =	sand.u32 $0xFFFF, s28;
	s5 =	spop (v2sf);
	(v2sf) =	vpush v15, $0x9  }
0x67: {  	s17 =	sshrl.u32 s28, $0x10;
	v20 =	vld [tilespmem:s16+$0x0];
	s31 =	spop (v2sf)  }
0x68: {  	v21 =	vld [tilespmem:s17+$0x0];
	s19 =	sand.u32 $0xFFFF, s31;
	s8 =	spop (v2sf)  }
0x69: {  	s20 =	sshrl.u32 s31, $0x10;
	v22 =	vld [tilespmem:s19+$0x0];
	s0 =	spop (v2sf)  }
0x6a: {  	v23 =	vld [tilespmem:s20+$0x0];
	s23 =	sand.u32 $0xFFFF, s0;
	s2 =	spop (v2sf)  }
0x6b: {  	s30 =	sshrl.u32 s0, $0x10;
	v24 =	vld [tilespmem:s23+$0x0];
	s3 =	spop (v2sf)  }
0x6c: {  	v25 =	vld [tilespmem:s30+$0x0];
	s28 =	sand.u32 $0xFFFF, s3;
	s6 =	spop (v2sf)  }
0x6d: {  	s7 =	simm.s32 $0x1;
	s21 =	sshrl.u32 s3, $0x10;
	v26 =	vld [tilespmem:s28+$0x0];
	s4 =	spop (v2sf)  }
0x6e: {  	s7 =	simm.s32 @!p0 $0x0;
	v27 =	vld [tilespmem:s21+$0x0];
	s22 =	sand.u32 $0xFFFF, s4;
	s3 =	spop (v2sf)  }
0x6f: {  	s7 =	sshll.u32 s7, $0xC;
	s25 =	sshrl.u32 s4, $0x10;
	v28 =	vld [tilespmem:s22+$0x0];
	s9 =	spop (v2sf)  }
0x70: {  	s12 =	sor.u32 $0x80, s7;
	v29 =	vld [tilespmem:s25+$0x0];
	s26 =	sand.u32 $0xFFFF, s9;
	s4 =	spop (v2sf)  }
0x71: {  	(v2sf) =	vpush v16, $0x9;
	s24 =	sshrl.u32 s9, $0x10;
	v30 =	vld [tilespmem:s26+$0x0];
	s10 =	spop (v2sf);
	[smem:$0x7D0] =	sst s12  }
0x72: {  	(v2sf) =	vpush v16, $0xA;
	s18 =	sand.u32 $0xFFFF, s10;
	v16 =	vld [tilespmem:s24+$0x0];
	s7 =	spop (v2sf)  }
0x73: {  	s15 =	sshrl.u32 s10, $0x10;
	v31 =	vld [tilespmem:s18+$0x0];
	s9 =	spop (v2sf)  }
0x74: {  	v17 =	vmov s12;
	(v2sf) =	vpush v15, $0xA;
	v15 =	vld [tilespmem:s15+$0x0];
	s14 =	sand.u32 $0xFFFF, s9;
	s1 =	spop (v2sf)  }
0x75: {  	v17 =	vshrl.u32 v17, $0x7;
	s9 =	sshrl.u32 s9, $0x10;
	v32 =	vld [tilespmem:s14+$0x0];
	s10 =	spop (v2sf)  }
0x76: {  	v17 =	vshll.u32 v17, v7;
	v33 =	vld [tilespmem:s9+$0x0];
	s12 =	sand.u32 $0xFFFF, s10  }
0x77: {  	v17 =	vbroadcast v17, $0x0;
	s10 =	sshrl.u32 s10, $0x10;
	v34 =	vld [tilespmem:s12+$0x0]  }
0x78: {  	v20 =	vmax.bf16 v20, v21;
	v21 =	vmax.bf16 v22, v23;
	v35 =	vld [tilespmem:s10+$0x0]  }
0x79: {  	v18 =	vmax.bf16 v18, v19;
	v19 =	vor.u32 v8, v17;
	v20 =	vmax.bf16 v20, v21  }
0x7a: {  	v22 =	vmax.bf16 v24, v25;
	v23 =	vmax.bf16 v26, v27;
	v24 =	vmax.bf16 v28, v29  }
0x7b: {  	v16 =	vmax.bf16 v30, v16;
	v15 =	vmax.bf16 v31, v15;
	v25 =	vmax.bf16 v32, v33  }
0x7c: {  	v21 =	vmax.bf16 v22, v23;
	v16 =	vmax.bf16 v24, v16;
	v15 =	vmax.bf16 v15, v25  }
0x7d: {  	v20 =	vmax.bf16 v20, v21;
	v22 =	vmax.bf16 v34, v35;
	v15 =	vmax.bf16 v16, v15  }
0x7e: {  	v36 =	vor.u32 v9, v17;
	v16 =	vmax.bf16 v18, v22;
	v15 =	vmax.bf16 v20, v15  }
0x7f: {  	v15 =	vmax.bf16 v15, v16  }
0x80: {  	s0 =	simm.s32 $0x1C280;
	v16 =	vshll.u32 v15, $0x10;
	s31 =	spop (v2sf)  }
0x81: {  	[tilespmem:v19+s0+$0x0] =	vst.idx.msk $0xffff, v16;
	s0 =	spop (v2sf)  }
0x82: {  	v15 =	vand.u32 $0xFFFF0000, v15;
	[dreg:$0x6] =	wrdreg s0;
	s0 =	simm.s32 $0x1C280  }
0x83: {  	[tilespmem:v36+s0+$0x0] =	vst.idx.msk $0xffff, v15;
	s0 =	spop (v2sf)  }
0x84: {  	[smem:$0x7D1] =	sst s0  }
0x85: {  	v15 =	vld [tilespmem:s0+$0xFA80]  }
0x86: {  	v16 =	vor.u32 v4, v17  }
0x87: {  	v18 =	vor.u32 v10, v17;
	_ =	sdelay $0x2  }
0x88: {  	s0 =	simm.s32 $0x1C280;
	v19 =	vshll.u32 v15, $0x10  }
0x89: {  	v15 =	vand.u32 $0xFFFF0000, v15;
	[tilespmem:v16+s0+$0x0] =	vst.idx.msk $0xffff, v19;
	s0 =	simm.s32 $0x1C280  }
0x8a: {  	[tilespmem:v18+s0+$0x0] =	vst.idx.msk $0xffff, v15  }
0x8b: {  	v20 =	vld [tilespmem:s11+$0x10]  }
0x8c: {  	v23 =	vld [tilespmem:s13+$0x10]  }
0x8d: {  	v24 =	vld [tilespmem:s16+$0x10]  }
0x8e: {  	v26 =	vld [tilespmem:s17+$0x10]  }
0x8f: {  	v19 =	vld [tilespmem:s19+$0x10]  }
0x90: {  	v21 =	vld [tilespmem:s20+$0x10]  }
0x91: {  	v22 =	vld [tilespmem:s23+$0x10];
	s13 =	sand.u32 $0xFFFF, s29  }
0x92: {  	v25 =	vld [tilespmem:s30+$0x10];
	s16 =	sshrl.u32 s29, $0x10;
	[smem:$0x7D2] =	sst s13  }
0x93: {  	s17 =	sand.u32 $0xFFFF, s5;
	v16 =	vld [tilespmem:s13+$0x0];
	[smem:$0x7D3] =	sst s16  }
0x94: {  	v27 =	vld [tilespmem:s28+$0x10];
	[smem:$0x7D4] =	sst s17  }
0x95: {  	s19 =	sshrl.u32 s5, $0x10;
	v28 =	vld [tilespmem:s16+$0x0]  }
0x96: {  	s20 =	sand.u32 $0xFFFF, s8;
	v29 =	vld [tilespmem:s17+$0x0];
	[smem:$0x7D5] =	sst s19  }
0x97: {  	v30 =	vld [tilespmem:s21+$0x10];
	[smem:$0x7D6] =	sst s20  }
0x98: {  	s21 =	sshrl.u32 s8, $0x10;
	v31 =	vld [tilespmem:s19+$0x0]  }
0x99: {  	v60 =	vld [tilespmem:s20+$0x0];
	[smem:$0x7D7] =	sst s21  }
0x9a: {  	v33 =	vld [tilespmem:s22+$0x10];
	s22 =	sand.u32 $0xFFFF, s2  }
0x9b: {  	[smem:$0x7D8] =	sst s22  }
0x9c: {  	s23 =	sld [smem:$0x7CF];
	v61 =	vld [tilespmem:s21+$0x0]  }
0x9d: {  	v35 =	vld [tilespmem:s22+$0x0]  }
0x9e: {  	v36 =	vld [tilespmem:s25+$0x10]  }
0x9f: {  	s30 =	sadd.s32 $0x20, s23;
	v37 =	vld [tilespmem:s26+$0x10];
	s25 =	sshrl.u32 s2, $0x10  }
0xa0: {  	v15 =	vld [tilespmem:s30+$0x0];
	[smem:$0x7D9] =	sst s25  }
0xa1: {  	s26 =	sand.u32 $0xFFFF, s6;
	v18 =	vld [tilespmem:s30+$0xFFFFFFF0]  }
0xa2: {  	[smem:$0x7DA] =	sst s26  }
0xa3: {  	s28 =	sshrl.u32 s6, $0x10;
	v38 =	vld [tilespmem:s25+$0x0]  }
0xa4: {  	s29 =	sand.u32 $0xFFFF, s3;
	v39 =	vld [tilespmem:s26+$0x0];
	[smem:$0x7DB] =	sst s28  }
0xa5: {  	v40 =	vld [tilespmem:s24+$0x10];
	[smem:$0x7DD] =	sst s29;
	(v2sf) =	vpush v15, $0x8  }
0xa6: {  	s0 =	sshrl.u32 s3, $0x10;
	v41 =	vld [tilespmem:s28+$0x0];
	(v2sf) =	vpush v18, $0x0  }
0xa7: {  	s3 =	sand.u32 $0xFFFF, s4;
	v42 =	vld [tilespmem:s29+$0x0];
	[smem:$0x7DF] =	sst s0;
	(v2sf) =	vpush v15, $0x0  }
0xa8: {  	v43 =	vld [tilespmem:s18+$0x10];
	[smem:$0x7E2] =	sst s3;
	(v2sf) =	vpush v18, $0x1  }
0xa9: {  	s4 =	sshrl.u32 s4, $0x10;
	v44 =	vld [tilespmem:s0+$0x0]  }
0xaa: {  	s5 =	sand.u32 $0xFFFF, s7;
	v45 =	vld [tilespmem:s3+$0x0];
	[smem:$0x7E3] =	sst s4;
	(v2sf) =	vpush v15, $0x1  }
0xab: {  	v1 =	vld [tilespmem:s15+$0x10];
	[smem:$0x7E4] =	sst s5;
	(v2sf) =	vpush v18, $0x2  }
0xac: {  	s6 =	sshrl.u32 s7, $0x10;
	v47 =	vld [tilespmem:s4+$0x0];
	(v2sf) =	vpush v15, $0x2  }
0xad: {  	s7 =	sand.u32 $0xFFFF, s1;
	v48 =	vld [tilespmem:s5+$0x0];
	[smem:$0x7E5] =	sst s6;
	(v2sf) =	vpush v18, $0x3  }
0xae: {  	v6 =	vld [tilespmem:s14+$0x10];
	[smem:$0x7E6] =	sst s7;
	(v2sf) =	vpush v15, $0x3  }
0xaf: {  	v50 =	vld [tilespmem:s6+$0x0];
	(v2sf) =	vpush v18, $0x4  }
0xb0: {  	s8 =	sld [smem:$0x7D0];
	v0 =	vld [tilespmem:s7+$0x0];
	(v2sf) =	vpush v15, $0x4  }
0xb1: {  	s1 =	sshrl.u32 s1, $0x10;
	v52 =	vld [tilespmem:s9+$0x10];
	(v2sf) =	vpush v18, $0x5  }
0xb2: {  	s13 =	sand.u32 $0xFFFF, s31;
	v46 =	vld [tilespmem:s12+$0x10];
	[smem:$0x7E7] =	sst s1;
	(v2sf) =	vpush v15, $0x5  }
0xb3: {  	s14 =	sshrl.u32 s31, $0x10;
	s12 =	sadd.s32 $0xFFFFFF80, s8;
	v54 =	vld [tilespmem:s10+$0x10];
	[smem:$0x7E8] =	sst s13;
	(v2sf) =	vpush v18, $0x6  }
0xb4: {  	v55 =	vmov s12;
	v56 =	vld [tilespmem:s1+$0x0];
	[smem:$0x7E9] =	sst s14;
	(v2sf) =	vpush v15, $0x6;
	s15 =	spop (v2sf)  }
0xb5: {  	v55 =	vshrl.u32 v55, $0x7;
	v57 =	vld [tilespmem:s13+$0x0];
	(v2sf) =	vpush v18, $0x7;
	s16 =	spop (v2sf)  }
0xb6: {  	v28 =	vmax.bf16 v16, v28;
	v16 =	vshll.u32 v55, v7;
	v55 =	vld [tilespmem:s14+$0x0];
	s22 =	sand.u32 $0xFFFF, s15;
	(v2sf) =	vpush v15, $0x7;
	[smem:$0x7DC] =	sst s16;
	s17 =	spop (v2sf)  }
0xb7: {  	v29 =	vmax.bf16 v29, v31;
	s21 =	sshrl.u32 s15, $0x10;
	(v2sf) =	vpush v18, $0x8;
	v31 =	vld [tilespmem:s22+$0x0];
	s18 =	spop (v2sf)  }
0xb8: {  	v28 =	vmax.bf16 v28, v29;
	v29 =	vld [tilespmem:s21+$0x0];
	(v2sf) =	vpush v15, $0x9;
	s19 =	sand.u32 $0xFFFF, s17;
	[smem:$0x7DE] =	sst s18  }
0xb9: {  	v20 =	vmax.bf16 v20, v23;
	v23 =	vmax.bf16 v24, v26;
	s18 =	sshrl.u32 s17, $0x10;
	s20 =	spop (v2sf);
	v59 =	vld [tilespmem:s19+$0x0]  }
0xba: {  	v19 =	vmax.bf16 v19, v21;
	v21 =	vmax.bf16 v22, v25;
	v62 =	vmax.bf16 v39, v41;
	v39 =	vld [tilespmem:s18+$0x0];
	s28 =	sand.u32 $0xFFFF, s20;
	s25 =	spop (v2sf)  }
0xbb: {  	v22 =	vmax.bf16 v27, v30;
	v63 =	vmax.bf16 v42, v44;
	v49 =	vmax.bf16 v45, v47;
	s31 =	sshrl.u32 s20, $0x10;
	v45 =	vld [tilespmem:s28+$0x0];
	s23 =	spop (v2sf)  }
0xbc: {  	v19 =	vmax.bf16 v23, v19;
	v21 =	vmax.bf16 v21, v22;
	v51 =	vmax.bf16 v62, v63;
	v62 =	vld [tilespmem:s31+$0x0];
	s15 =	sand.u32 $0xFFFF, s23;
	s24 =	spop (v2sf)  }
0xbd: {  	v32 =	vmax.bf16 v60, v61;
	v26 =	vmax.bf16 v33, v36;
	v35 =	vmax.bf16 v35, v38;
	s14 =	sshrl.u32 s23, $0x10;
	v47 =	vld [tilespmem:s15+$0x0];
	s26 =	spop (v2sf)  }
0xbe: {  	v32 =	vmax.bf16 v32, v35;
	v27 =	vmax.bf16 v37, v40;
	v16 =	vbroadcast v16, $0x0;
	v24 =	vld [tilespmem:s14+$0x0];
	s13 =	sand.u32 $0xFFFF, s26;
	s23 =	spop (v2sf)  }
0xbf: {  	v19 =	vmax.bf16 v19, v21;
	v28 =	vmax.bf16 v28, v32;
	v23 =	vmax.bf16 v26, v27;
	s12 =	sshrl.u32 s26, $0x10;
	v25 =	vld [tilespmem:s13+$0x0];
	s29 =	spop (v2sf)  }
0xc0: {  	v30 =	vmax.bf16 v43, v1;
	v50 =	vmax.bf16 v48, v50;
	v34 =	vor.u32 v8, v16;
	v48 =	vld [tilespmem:s12+$0x0];
	s11 =	sand.u32 $0xFFFF, s29;
	s20 =	spop (v2sf)  }
0xc1: {  	v58 =	vor.u32 v9, v16;
	v61 =	vmax.bf16 v49, v50;
	v49 =	vmax.bf16 v6, v52;
	s10 =	sshrl.u32 s29, $0x10;
	v22 =	vld [tilespmem:s11+$0x0];
	s1 =	spop (v2sf)  }
0xc2: {  	v60 =	vor.u32 v4, v16;
	v27 =	vmax.bf16 v46, v54;
	v26 =	vmax.bf16 v30, v49;
	v30 =	vld [tilespmem:s10+$0x0];
	s9 =	sand.u32 $0xFFFF, s1;
	s26 =	spop (v2sf)  }
0xc3: {  	s4 =	sadd.s32 $0x100, s8;
	v44 =	vmax.bf16 v51, v61;
	v21 =	vmax.bf16 v23, v26;
	(v2sf) =	vpush v18, $0x9;
	s7 =	sshrl.u32 s1, $0x10;
	v23 =	vld [tilespmem:s9+$0x0];
	s2 =	spop (v2sf)  }
0xc4: {  	v26 =	vmax.bf16 v0, v56;
	v50 =	vmax.bf16 v57, v55;
	(v2sf) =	vpush v18, $0xA;
	v51 =	vld [tilespmem:s7+$0x0];
	[smem:$0x7E0] =	sst s4;
	s6 =	sand.u32 $0xFFFF, s2;
	s17 =	spop (v2sf)  }
0xc5: {  	v52 =	vmov s4;
	v28 =	vmax.bf16 v28, v44;
	v18 =	vmax.bf16 v26, v50;
	s5 =	sshrl.u32 s2, $0x10;
	v26 =	vld [tilespmem:s6+$0x0];
	s8 =	spop (v2sf)  }
0xc6: {  	(v2sf) =	vpush v15, $0xA;
	v15 =	vmax.bf16 v20, v27;
	v18 =	vmax.bf16 v28, v18;
	v20 =	vld [tilespmem:s5+$0x0];
	s4 =	sand.u32 $0xFFFF, s8;
	s16 =	spop (v2sf)  }
0xc7: {  	v19 =	vmax.bf16 v19, v21;
	v27 =	vshrl.u32 v52, $0x7;
	s29 =	simm.s32 $0x1C280;
	v21 =	vshll.u32 v18, $0x10;
	s3 =	sshrl.u32 s8, $0x10;
	v28 =	vld [tilespmem:s4+$0x0];
	s0 =	spop (v2sf)  }
0xc8: {  	v27 =	vshll.u32 v27, v7;
	v15 =	vmax.bf16 v19, v15;
	v19 =	vand.u32 $0xFFFF0000, v18;
	s1 =	simm.s32 $0x1C280;
	[tilespmem:v34+s29+$0x0] =	vst.idx.msk $0xffff, v21;
	v21 =	vld [tilespmem:s3+$0x0];
	s2 =	sand.u32 $0xFFFF, s0  }
0xc9: {  	v54 =	vor.u32 v12, v17;
	v29 =	vmax.bf16 v31, v29;
	v18 =	vbroadcast v27, $0x0;
	[tilespmem:v58+s1+$0x0] =	vst.idx.msk $0xffff, v19;
	s1 =	sshrl.u32 s0, $0x10;
	v19 =	vld [tilespmem:s2+$0x0]  }
0xca: {  	v39 =	vmax.bf16 v59, v39;
	v27 =	vor.u32 v11, v17;
	v55 =	vshll.u32 v15, $0x10;
	v56 =	vld [tilespmem:s1+$0x0]  }
0xcb: {  	v24 =	vmax.bf16 v47, v24;
	v31 =	vor.u32 v8, v18;
	v25 =	vmax.bf16 v25, v48;
	s8 =	rddreg [dreg:$0x6]  }
0xcc: {  	v58 =	vmax.bf16 v45, v62;
	v24 =	vmax.bf16 v24, v25;
	v22 =	vmax.bf16 v22, v30;
	v59 =	vld [tilespmem:s8+$0xFA80]  }
0xcd: {  	v23 =	vmax.bf16 v23, v51;
	v20 =	vmax.bf16 v26, v20;
	v21 =	vmax.bf16 v28, v21  }
0xce: {  	v22 =	vmax.bf16 v22, v23;
	v26 =	vmax.bf16 v39, v58;
	v20 =	vmax.bf16 v20, v21  }
0xcf: {  	s29 =	simm.s32 $0x1C280;
	v21 =	vmax.bf16 v26, v24;
	v19 =	vmax.bf16 v19, v56;
	v20 =	vmax.bf16 v22, v20  }
0xd0: {  	v15 =	vand.u32 $0xFFFF0000, v15;
	[tilespmem:v27+s29+$0x0] =	vst.idx.msk $0xffff, v55;
	s0 =	simm.s32 $0x1C280;
	v19 =	vmax.bf16 v29, v19;
	v20 =	vmax.bf16 v21, v20  }
0xd1: {  	s29 =	simm.s32 $0x1C280;
	[tilespmem:v54+s0+$0x0] =	vst.idx.msk $0xffff, v15;
	v15 =	vshll.u32 v59, $0x10;
	v19 =	vmax.bf16 v20, v19  }
0xd2: {  	s0 =	simm.s32 $0x1C280;
	[tilespmem:v60+s29+$0x0] =	vst.idx.msk $0xffff, v15;
	s8 =	spop (v2sf);
	v15 =	vshll.u32 v19, $0x10  }
0xd3: {  	[tilespmem:v31+s0+$0x0] =	vst.idx.msk $0xffff, v15;
	s0 =	spop (v2sf)  }
0xd4: {  	v57 =	vor.u32 v9, v18;
	[dreg:$0x7] =	wrdreg s0  }
0xd5: {  	s0 =	sld [smem:$0x7D1]  }
0xd6: {  	v63 =	vor.u32 v10, v16;
	_ =	sdelay $0x1  }
0xd7: {  	v15 =	vand.u32 $0xFFFF0000, v19;
	v24 =	vld [tilespmem:s0+$0xFA90];
	s0 =	simm.s32 $0x1C280  }
0xd8: {  	[tilespmem:v57+s0+$0x0] =	vst.idx.msk $0xffff, v15;
	s0 =	spop (v2sf)  }
0xd9: {  	s29 =	simm.s32 $0x1C280;
	v20 =	vand.u32 $0xFFFF0000, v59;
	[smem:$0x7E1] =	sst s0  }
0xda: {  	[tilespmem:v63+s29+$0x0] =	vst.idx.msk $0xffff, v20  }
0xdb: {  	s29 =	sld [smem:$0x7D2];
	_ =	sdelay $0x2  }
0xdc: {  	v0 =	vld [tilespmem:s29+$0x10];
	_ =	sdelay $0x2  }
0xdd: {  	v21 =	vld [tilespmem:s0+$0xFA80];
	s0 =	sld [smem:$0x7D3];
	_ =	sdelay $0x1  }
0xde: {  	[tilespmem:$0x1FFB0] =	vst v0  }
0xdf: {  	v0 =	vld [tilespmem:s0+$0x10];
	_ =	sdelay $0x2  }
0xe0: {  	s0 =	sld [smem:$0x7D4];
	_ =	sdelay $0x1  }
0xe1: {  	[tilespmem:$0x1FFC0] =	vst v0  }
0xe2: {  	v0 =	vld [tilespmem:s0+$0x10];
	_ =	sdelay $0x2  }
0xe3: {  	s29 =	sld [smem:$0x7D5];
	_ =	sdelay $0x1  }
0xe4: {  	[tilespmem:$0x1FFD0] =	vst v0  }
0xe5: {  	v25 =	vld [tilespmem:s29+$0x10];
	s29 =	sld [smem:$0x7D6];
	_ =	sdelay $0x2  }
0xe6: {  	v0 =	vld [tilespmem:s29+$0x10]  }
0xe7: {  	v22 =	vor.u32 v4, v18  }
0xe8: {  	v28 =	vor.u32 v10, v18;
	_ =	sdelay $0x1  }
0xe9: {  	s29 =	sld [smem:$0x7D7]  }
0xea: {  	v27 =	vshll.u32 v21, $0x10;
	s0 =	simm.s32 $0x1C280;
	[tilespmem:$0x1FFE0] =	vst v0  }
0xeb: {  	v21 =	vand.u32 $0xFFFF0000, v21;
	[tilespmem:v22+s0+$0x0] =	vst.idx.msk $0xffff, v27;
	s0 =	simm.s32 $0x1C280  }
0xec: {  	v26 =	vld [tilespmem:s29+$0x10];
	s29 =	sld [smem:$0x7D8];
	[tilespmem:v28+s0+$0x0] =	vst.idx.msk $0xffff, v21  }
0xed: {  	v42 =	vld [tilespmem:s22+$0x10]  }
0xee: {  	v43 =	vld [tilespmem:s21+$0x10]  }
0xef: {  	v44 =	vld [tilespmem:s19+$0x10]  }
0xf0: {  	v45 =	vld [tilespmem:s18+$0x10]  }
0xf1: {  	v19 =	vld [tilespmem:s28+$0x10]  }
0xf2: {  	v47 =	vld [tilespmem:s31+$0x10]  }
0xf3: {  	v48 =	vld [tilespmem:s15+$0x10]  }
0xf4: {  	v15 =	vld [tilespmem:s14+$0x10]  }
0xf5: {  	v36 =	vld [tilespmem:s13+$0x10]  }
0xf6: {  	v38 =	vld [tilespmem:s12+$0x10]  }
0xf7: {  	v39 =	vld [tilespmem:s11+$0x10]  }
0xf8: {  	v50 =	vld [tilespmem:s10+$0x10]  }
0xf9: {  	v20 =	vld [tilespmem:s9+$0x10]  }
0xfa: {  	v52 =	vld [tilespmem:s7+$0x10]  }
0xfb: {  	v37 =	vld [tilespmem:s6+$0x10]  }
0xfc: {  	v40 =	vld [tilespmem:s5+$0x10]  }
0xfd: {  	v41 =	vld [tilespmem:s4+$0x10]  }
0xfe: {  	v23 =	vld [tilespmem:s3+$0x10];
	s31 =	sld [smem:$0x7D9]  }
0xff: {  	v35 =	vld [tilespmem:s1+$0x10];
	s1 =	sld [smem:$0x7DA]  }
0x100: {  	v34 =	vld [tilespmem:s2+$0x10];
	s2 =	sld [smem:$0x7DB]  }
0x101: {  	s3 =	sld [smem:$0x7DC];
	v27 =	vld [tilespmem:s29+$0x10]  }
0x102: {  	v32 =	vld [tilespmem:s31+$0x10]  }
0x103: {  	s5 =	sld [smem:$0x7DD];
	v28 =	vld [tilespmem:s1+$0x10]  }
0x104: {  	s4 =	sadd.s32 $0x20, s30;
	s6 =	sld [smem:$0x7DE];
	v29 =	vld [tilespmem:s2+$0x10];
	s21 =	sand.u32 $0xFFFF, s3  }
0x105: {  	v33 =	vld [tilespmem:s21+$0x0];
	[smem:$0x7F8] =	sst s4  }
0x106: {  	s10 =	sld [smem:$0x7DF];
	s1 =	sshrl.u32 s3, $0x10;
	v21 =	vld [tilespmem:s4+$0x0]  }
0x107: {  	s7 =	sand.u32 $0xFFFF, s6;
	v22 =	vld [tilespmem:s4+$0xFFFFFFF0];
	[smem:$0x7EA] =	sst s1  }
0x108: {  	v30 =	vld [tilespmem:s5+$0x10];
	[smem:$0x7EB] =	sst s7  }
0x109: {  	s9 =	sshrl.u32 s6, $0x10;
	v54 =	vld [tilespmem:s1+$0x0]  }
0x10a: {  	s11 =	sand.u32 $0xFFFF, s25;
	v55 =	vld [tilespmem:s7+$0x0];
	[smem:$0x7EC] =	sst s9  }
0x10b: {  	s12 =	sshrl.u32 s25, $0x10;
	v31 =	vld [tilespmem:s10+$0x10];
	[smem:$0x7ED] =	sst s11  }
0x10c: {  	v56 =	vld [tilespmem:s9+$0x0];
	[smem:$0x7EE] =	sst s12;
	(v2sf) =	vpush v21, $0x8  }
0x10d: {  	s13 =	sshrl.u32 s24, $0x10;
	v57 =	vld [tilespmem:s11+$0x0];
	(v2sf) =	vpush v22, $0x0  }
0x10e: {  	s18 =	sand.u32 $0xFFFF, s24;
	v58 =	vld [tilespmem:s12+$0x0];
	[smem:$0x7F3] =	sst s13;
	(v2sf) =	vpush v21, $0x0  }
0x10f: {  	s14 =	sand.u32 $0xFFFF, s23;
	v59 =	vld [tilespmem:s18+$0x0];
	(v2sf) =	vpush v22, $0x1  }
0x110: {  	s15 =	sshrl.u32 s23, $0x10;
	v60 =	vld [tilespmem:s13+$0x0];
	[smem:$0x7F4] =	sst s14;
	(v2sf) =	vpush v21, $0x1  }
0x111: {  	s19 =	sand.u32 $0xFFFF, s20;
	[smem:$0x7F5] =	sst s15;
	(v2sf) =	vpush v22, $0x2  }
0x112: {  	s22 =	sand.u32 $0xFFFF, s26;
	s23 =	sshrl.u32 s26, $0x10;
	s26 =	sld [smem:$0x7E0];
	v61 =	vld [tilespmem:s14+$0x0];
	(v2sf) =	vpush v21, $0x2  }
0x113: {  	s20 =	sshrl.u32 s20, $0x10;
	v62 =	vld [tilespmem:s15+$0x0];
	[dreg:$0xa] =	wrdreg s19;
	(v2sf) =	vpush v22, $0x3  }
0x114: {  	v63 =	vld [tilespmem:s19+$0x0];
	[dreg:$0x9] =	wrdreg s20;
	(v2sf) =	vpush v21, $0x3  }
0x115: {  	v1 =	vld [tilespmem:s20+$0x0];
	[dreg:$0xb] =	wrdreg s22;
	(v2sf) =	vpush v22, $0x4  }
0x116: {  	s24 =	sand.u32 $0xFFFF, s17;
	v6 =	vld [tilespmem:s22+$0x0];
	[dreg:$0x8] =	wrdreg s23;
	(v2sf) =	vpush v21, $0x4  }
0x117: {  	s25 =	sshrl.u32 s17, $0x10;
	v0 =	vld [tilespmem:s23+$0x0];
	[dreg:$0xc] =	wrdreg s24;
	(v2sf) =	vpush v22, $0x5  }
0x118: {  	s2 =	sand.u32 $0xFFFF, s16;
	v51 =	vld [tilespmem:s24+$0x0];
	[dreg:$0xd] =	wrdreg s25;
	(v2sf) =	vpush v21, $0x5  }
0x119: {  	s3 =	sshrl.u32 s16, $0x10;
	v49 =	vld [tilespmem:s25+$0x0];
	[dreg:$0xe] =	wrdreg s2  }
0x11a: {  	s31 =	sadd.s32 $0xFFFFFF80, s26;
	s4 =	sand.u32 $0xFFFF, s8;
	v33 =	vmax.bf16 v33, v54;
	v54 =	vmax.bf16 v55, v56;
	v55 =	vld [tilespmem:s2+$0x0];
	[dreg:$0xf] =	wrdreg s3;
	(v2sf) =	vpush v22, $0x6  }
0x11b: {  	s5 =	sshrl.u32 s8, $0x10;
	v56 =	vmax.bf16 v57, v58;
	v57 =	vmax.bf16 v59, v60;
	v60 =	vld [tilespmem:s3+$0x0];
	[dreg:$0x11] =	wrdreg s4;
	(v2sf) =	vpush v21, $0x6;
	s6 =	spop (v2sf)  }
0x11c: {  	v46 =	vmov s31;
	v56 =	vmax.bf16 v56, v57;
	v57 =	vld [tilespmem:s4+$0x0];
	[dreg:$0x10] =	wrdreg s5;
	(v2sf) =	vpush v22, $0x7;
	s29 =	spop (v2sf)  }
0x11d: {  	v46 =	vshrl.u32 v46, $0x7;
	v61 =	vmax.bf16 v61, v62;
	v62 =	vld [tilespmem:s5+$0x0];
	(v2sf) =	vpush v21, $0x7;
	s14 =	sand.u32 $0xFFFF, s6;
	s7 =	spop (v2sf)  }
0x11e: {  	v46 =	vshll.u32 v46, v7;
	v0 =	vmax.bf16 v6, v0;
	s9 =	sshrl.u32 s6, $0x10;
	v6 =	vld [tilespmem:s14+$0x0];
	(v2sf) =	vpush v22, $0x8;
	s31 =	spop (v2sf)  }
0x11f: {  	v54 =	vmax.bf16 v33, v54;
	v1 =	vmax.bf16 v63, v1;
	v49 =	vmax.bf16 v51, v49;
	v51 =	vld [tilespmem:s9+$0x0];
	s8 =	sand.u32 $0xFFFF, s7;
	s10 =	spop (v2sf)  }
0x120: {  	v33 =	vbroadcast v46, $0x0;
	v1 =	vmax.bf16 v61, v1;
	v0 =	vmax.bf16 v0, v49;
	s7 =	sshrl.u32 s7, $0x10;
	v46 =	vld [tilespmem:s8+$0x0];
	s17 =	spop (v2sf)  }
0x121: {  	v0 =	vmax.bf16 v1, v0;
	v1 =	vld [tilespmem:s7+$0x0];
	s28 =	sand.u32 $0xFFFF, s10;
	s11 =	spop (v2sf)  }
0x122: {  	s6 =	sshrl.u32 s10, $0x10;
	v49 =	vld [tilespmem:s28+$0x0];
	s16 =	spop (v2sf)  }
0x123: {  	v42 =	vmax.bf16 v42, v43;
	v44 =	vmax.bf16 v44, v45;
	v19 =	vmax.bf16 v19, v47;
	v45 =	vld [tilespmem:s6+$0x0];
	s5 =	sand.u32 $0xFFFF, s11;
	s12 =	spop (v2sf)  }
0x124: {  	v47 =	vor.u32 v11, v18;
	v15 =	vmax.bf16 v48, v15;
	v36 =	vmax.bf16 v36, v38;
	s4 =	sshrl.u32 s11, $0x10;
	v48 =	vld [tilespmem:s5+$0x0];
	s15 =	spop (v2sf)  }
0x125: {  	v20 =	vmax.bf16 v20, v52;
	v63 =	vmax.bf16 v54, v56;
	v56 =	vmax.bf16 v39, v50;
	v39 =	vld [tilespmem:s4+$0x0];
	s3 =	sand.u32 $0xFFFF, s12;
	s13 =	spop (v2sf)  }
0x126: {  	v37 =	vmax.bf16 v37, v40;
	v23 =	vmax.bf16 v41, v23;
	v19 =	vmax.bf16 v44, v19;
	s2 =	sshrl.u32 s12, $0x10;
	v40 =	vld [tilespmem:s3+$0x0];
	s11 =	spop (v2sf)  }
0x127: {  	v15 =	vmax.bf16 v15, v36;
	v23 =	vmax.bf16 v37, v23;
	v20 =	vmax.bf16 v56, v20;
	v36 =	vld [tilespmem:s2+$0x0];
	s1 =	sand.u32 $0xFFFF, s13;
	s20 =	spop (v2sf)  }
0x128: {  	v34 =	vmax.bf16 v34, v35;
	v15 =	vmax.bf16 v19, v15;
	v19 =	vmax.bf16 v20, v23;
	s0 =	sshrl.u32 s13, $0x10;
	v20 =	vld [tilespmem:s1+$0x0];
	s22 =	sand.u32 $0xFFFF, s20  }
0x129: {  	v34 =	vmax.bf16 v42, v34;
	v15 =	vmax.bf16 v15, v19;
	(v2sf) =	vpush v21, $0x9;
	v19 =	vld [tilespmem:s0+$0x0];
	s12 =	spop (v2sf);
	s10 =	sshrl.u32 s20, $0x10;
	[smem:$0x7EF] =	sst s22  }
0x12a: {  	s30 =	simm.s32 $0x1C280;
	v43 =	vor.u32 v9, v33;
	v23 =	vor.u32 v12, v18;
	(v2sf) =	vpush v22, $0x9;
	[smem:$0x7F0] =	sst s10;
	s23 =	spop (v2sf)  }
0x12b: {  	s19 =	sadd.s32 $0x100, s26;
	v54 =	vor.u32 v8, v33;
	v15 =	vmax.bf16 v15, v34;
	(v2sf) =	vpush v22, $0xA;
	v22 =	vld [tilespmem:s10+$0x0];
	s10 =	spop (v2sf);
	s24 =	sshrl.u32 s23, $0x10  }
0x12c: {  	v58 =	vmax.bf16 v55, v60;
	v61 =	vmax.bf16 v57, v62;
	v62 =	vshll.u32 v15, $0x10;
	v60 =	vld [tilespmem:s22+$0x0];
	s25 =	sand.u32 $0xFFFF, s23;
	[smem:$0x7F1] =	sst s24;
	s26 =	spop (v2sf)  }
0x12d: {  	v0 =	vmax.bf16 v63, v0;
	v35 =	vmax.bf16 v58, v61;
	v63 =	vld [tilespmem:s25+$0x0];
	[tilespmem:v47+s30+$0x0] =	vst.idx.msk $0xffff, v62;
	s22 =	spop (v2sf)  }
0x12e: {  	v15 =	vand.u32 $0xFFFF0000, v15;
	v0 =	vmax.bf16 v0, v35;
	v52 =	vld [tilespmem:s24+$0x0];
	[smem:$0x7F2] =	sst s22  }
0x12f: {  	[tilespmem:v23+s30+$0x0] =	vst.idx.msk $0xffff, v15;
	v15 =	vshll.u32 v0, $0x10  }
0x130: {  	v0 =	vand.u32 $0xFFFF0000, v0;
	[tilespmem:v54+s30+$0x0] =	vst.idx.msk $0xffff, v15  }
0x131: {  	[tilespmem:v43+s30+$0x0] =	vst.idx.msk $0xffff, v0  }
0x132: {  	s20 =	sld [smem:$0x7E1]  }
0x133: {  	s24 =	sand.u32 $0xFFFF, s26  }
0x134: {  	v23 =	vld [tilespmem:s24+$0x0]  }
0x135: {  	v47 =	vld [tilespmem:s20+$0xFA90];
	s20 =	rddreg [dreg:$0x7]  }
0x136: {  	s26 =	sshrl.u32 s26, $0x10;
	v59 =	vld [tilespmem:s20+$0xFA80];
	s20 =	sld [smem:$0x7E2]  }
0x137: {  	v15 =	vld [tilespmem:s26+$0x0];
	_ =	sdelay $0x1  }
0x138: {  	v1 =	vmax.bf16 v46, v1;
	v46 =	vld [tilespmem:s20+$0x10];
	s20 =	sld [smem:$0x7E3];
	_ =	sdelay $0x1  }
0x139: {  	s23 =	spop (v2sf)  }
0x13a: {  	s22 =	sand.u32 $0xFFFF, s23;
	s23 =	sshrl.u32 s23, $0x10;
	v15 =	vmax.bf16 v23, v15;
	v23 =	vld [tilespmem:s20+$0x10];
	s20 =	sld [smem:$0x7E4]  }
0x13b: {  	v55 =	vld [tilespmem:s23+$0x0]  }
0x13c: {  	v19 =	vmax.bf16 v20, v19;
	v20 =	vmax.bf16 v60, v22;
	v0 =	vld [tilespmem:s22+$0x0]  }
0x13d: {  	v50 =	vmov s19;
	v19 =	vmax.bf16 v19, v20;
	v20 =	vld [tilespmem:s20+$0x10];
	s20 =	sld [smem:$0x7E5]  }
0x13e: {  	v6 =	vmax.bf16 v6, v51;
	v58 =	vmax.bf16 v49, v45;
	v22 =	vmax.bf16 v63, v52  }
0x13f: {  	v1 =	vmax.bf16 v1, v58;
	(v2sf) =	vpush v21, $0xA;
	v15 =	vmax.bf16 v22, v15  }
0x140: {  	v21 =	vshrl.u32 v50, $0x7;
	v54 =	vor.u32 v4, v33;
	v15 =	vmax.bf16 v19, v15;
	v19 =	vld [tilespmem:s20+$0x10];
	s20 =	sld [smem:$0x7E6]  }
0x141: {  	v39 =	vmax.bf16 v48, v39;
	v36 =	vmax.bf16 v40, v36;
	v21 =	vshll.u32 v21, v7  }
0x142: {  	v21 =	vbroadcast v21, $0x0;
	v60 =	vmax.bf16 v39, v36;
	v0 =	vmax.bf16 v0, v55  }
0x143: {  	v1 =	vmax.bf16 v1, v60;
	v0 =	vmax.bf16 v6, v0;
	v6 =	vld [tilespmem:s20+$0x10];
	s20 =	sld [smem:$0x7E7]  }
0x144: {  	v56 =	vor.u32 v8, v21;
	v1 =	vmax.bf16 v1, v15;
	v15 =	vshll.u32 v59, $0x10  }
0x145: {  	[tilespmem:v54+s30+$0x0] =	vst.idx.msk $0xffff, v15  }
0x146: {  	v57 =	vor.u32 v9, v21;
	v0 =	vmax.bf16 v1, v0;
	v1 =	vld [tilespmem:s20+$0x10];
	s20 =	sld [smem:$0x7E8]  }
0x147: {  	v22 =	vor.u32 v10, v33  }
0x148: {  	s13 =	spop (v2sf);
	v15 =	vshll.u32 v0, $0x10  }
0x149: {  	[tilespmem:v56+s30+$0x0] =	vst.idx.msk $0xffff, v15;
	v48 =	vld [tilespmem:s20+$0x10];
	s20 =	spop (v2sf)  }
0x14a: {  	v0 =	vand.u32 $0xFFFF0000, v0;
	[dreg:$0x13] =	wrdreg s20  }
0x14b: {  	v15 =	vand.u32 $0xFFFF0000, v59;
	s20 =	sld [smem:$0x7E9];
	[tilespmem:v57+s30+$0x0] =	vst.idx.msk $0xffff, v0  }
0x14c: {  	[tilespmem:v22+s30+$0x0] =	vst.idx.msk $0xffff, v15  }
0x14d: {  	v45 =	vld [tilespmem:s21+$0x10];
	s21 =	sld [smem:$0x7EA];
	_ =	sdelay $0x2  }
0x14e: {  	v50 =	vld [tilespmem:s21+$0x10];
	s21 =	sld [smem:$0x7EB]  }
0x14f: {  	v49 =	vld [tilespmem:s20+$0x10];
	s20 =	spop (v2sf)  }
0x150: {  	v0 =	vld [tilespmem:s20+$0xFA80]  }
0x151: {  	v51 =	vld [tilespmem:s21+$0x10];
	s21 =	sld [smem:$0x7EC]  }
0x152: {  	v15 =	vor.u32 v4, v21  }
0x153: {  	v61 =	vor.u32 v10, v21  }
0x154: {  	v52 =	vld [tilespmem:s21+$0x10];
	s21 =	sld [smem:$0x7ED];
	_ =	sdelay $0x1  }
0x155: {  	v22 =	vshll.u32 v0, $0x10  }
0x156: {  	v0 =	vand.u32 $0xFFFF0000, v0;
	v54 =	vld [tilespmem:s21+$0x10];
	s21 =	sld [smem:$0x7EE];
	[tilespmem:v15+s30+$0x0] =	vst.idx.msk $0xffff, v22  }
0x157: {  	v22 =	vld [tilespmem:s18+$0x10];
	[tilespmem:v61+s30+$0x0] =	vst.idx.msk $0xffff, v0  }
0x158: {  	v0 =	vld [tilespmem:s8+$0x10]  }
0x159: {  	v35 =	vld [tilespmem:s14+$0x10]  }
0x15a: {  	v36 =	vld [tilespmem:s9+$0x10]  }
0x15b: {  	v15 =	vld [tilespmem:$0x1FFC0]  }
0x15c: {  	v55 =	vld [tilespmem:s21+$0x10]  }
0x15d: {  	[tilespmem:$0x1FFF0] =	vst v0;
	v0 =	vld [tilespmem:$0x1FFB0]  }
0x15e: {  	v37 =	vld [tilespmem:s7+$0x10]  }
0x15f: {  	v38 =	vld [tilespmem:s28+$0x10]  }
0x160: {  	v39 =	vld [tilespmem:s6+$0x10]  }
0x161: {  	v40 =	vld [tilespmem:s5+$0x10]  }
0x162: {  	v15 =	vmax.bf16 v0, v15;
	v0 =	vld [tilespmem:$0x1FFD0]  }
0x163: {  	v42 =	vld [tilespmem:s4+$0x10]  }
0x164: {  	v41 =	vld [tilespmem:s3+$0x10]  }
0x165: {  	v43 =	vld [tilespmem:s2+$0x10]  }
0x166: {  	v44 =	vld [tilespmem:s1+$0x10]  }
0x167: {  	v25 =	vmax.bf16 v0, v25;
	v0 =	vld [tilespmem:$0x1FFE0]  }
0x168: {  	v34 =	vld [tilespmem:s0+$0x10];
	s5 =	sand.u32 $0xFFFF, s29  }
0x169: {  	s6 =	sshrl.u32 s29, $0x10;
	v56 =	vld [tilespmem:s5+$0x0];
	[dreg:$0x12] =	wrdreg s19  }
0x16a: {  	s8 =	sand.u32 $0xFFFF, s31;
	s7 =	sshrl.u32 s31, $0x10;
	v59 =	vld [tilespmem:s6+$0x0]  }
0x16b: {  	v27 =	vmax.bf16 v27, v32;
	v61 =	vld [tilespmem:s8+$0x0];
	[dreg:$0x17] =	wrdreg s7  }
0x16c: {  	v58 =	vor.u32 v11, v16;
	v62 =	vor.u32 v13, v17;
	s14 =	sand.u32 $0xFFFF, s17;
	s9 =	sshrl.u32 s17, $0x10;
	v32 =	vld [tilespmem:s7+$0x0];
	v26 =	vmax.bf16 v0, v26  }
0x16d: {  	v60 =	vor.u32 v12, v16;
	v63 =	vor.u32 v14, v17;
	v26 =	vmax.bf16 v26, v27;
	v27 =	vld [tilespmem:s14+$0x0];
	[dreg:$0x18] =	wrdreg s9  }
0x16e: {  	v17 =	vmax.bf16 v28, v29;
	v29 =	vmax.bf16 v30, v31;
	v30 =	vor.u32 v13, v18;
	s17 =	sand.u32 $0xFFFF, s16;
	v28 =	vld [tilespmem:s9+$0x0]  }
0x16f: {  	v29 =	vmax.bf16 v17, v29;
	v17 =	vmax.bf16 v46, v23;
	v1 =	vmax.bf16 v6, v1;
	s1 =	sshrl.u32 s16, $0x10;
	v0 =	vld [tilespmem:s17+$0x0]  }
0x170: {  	s3 =	sshrl.u32 s15, $0x10;
	v39 =	vmax.bf16 v38, v39;
	v40 =	vmax.bf16 v40, v42;
	v25 =	vmax.bf16 v15, v25;
	v46 =	vld [tilespmem:s1+$0x0]  }
0x171: {  	s2 =	sand.u32 $0xFFFF, s15;
	v41 =	vmax.bf16 v41, v43;
	v25 =	vmax.bf16 v25, v26;
	v26 =	vshll.u32 v24, $0x10;
	v6 =	vld [tilespmem:s3+$0x0]  }
0x172: {  	v23 =	vand.u32 $0xFFFF0000, v24;
	s4 =	sadd.s32 $0xFFFFFF80, s19;
	s7 =	sand.u32 $0xFFFF, s11;
	v24 =	vor.u32 v14, v18;
	v18 =	vmax.bf16 v20, v19;
	[tilespmem:v62+s30+$0x0] =	vst.idx.msk $0xffff, v26;
	v26 =	vld [tilespmem:s2+$0x0]  }
0x173: {  	s15 =	sshrl.u32 s11, $0x10;
	s11 =	sand.u32 $0xFFFF, s12;
	s12 =	sshrl.u32 s12, $0x10;
	v34 =	vmax.bf16 v44, v34;
	v40 =	vmax.bf16 v40, v41;
	v18 =	vmax.bf16 v17, v18;
	v62 =	vld [tilespmem:s7+$0x0]  }
0x174: {  	v57 =	vmov s4;
	v20 =	vmax.bf16 v48, v49;
	v19 =	vmax.bf16 v29, v18;
	[tilespmem:v63+s30+$0x0] =	vst.idx.msk $0xffff, v23;
	v63 =	vld [tilespmem:s12+$0x0]  }
0x175: {  	v1 =	vmax.bf16 v1, v20;
	v23 =	vmax.bf16 v25, v19;
	v19 =	vshll.u32 v47, $0x10;
	v25 =	vld [tilespmem:s15+$0x0]  }
0x176: {  	s19 =	sand.u32 $0xFFFF, s10;
	v20 =	vand.u32 $0xFFFF0000, v47;
	v29 =	vmax.bf16 v51, v52;
	v47 =	vld [tilespmem:s11+$0x0];
	[tilespmem:v30+s30+$0x0] =	vst.idx.msk $0xffff, v19;
	v1 =	vmax.bf16 v23, v1  }
0x177: {  	v23 =	vmax.bf16 v45, v50;
	[tilespmem:v24+s30+$0x0] =	vst.idx.msk $0xffff, v20;
	v20 =	vshll.u32 v1, $0x10;
	v24 =	vshrl.u32 v57, $0x7;
	v57 =	vld [tilespmem:s19+$0x0]  }
0x178: {  	s10 =	sshrl.u32 s10, $0x10;
	v1 =	vand.u32 $0xFFFF0000, v1;
	v23 =	vmax.bf16 v23, v29;
	v29 =	vmax.bf16 v56, v59;
	v56 =	vld [tilespmem:s22+$0x10];
	[tilespmem:v58+s30+$0x0] =	vst.idx.msk $0xffff, v20  }
0x179: {  	v15 =	vor.u32 v13, v16;
	v16 =	vor.u32 v14, v16;
	v58 =	vld [tilespmem:s10+$0x0];
	[tilespmem:v60+s30+$0x0] =	vst.idx.msk $0xffff, v1  }
0x17a: {  	v17 =	vor.u32 v11, v33;
	v18 =	vor.u32 v12, v33;
	v19 =	vor.u32 v13, v33;
	v60 =	vld [tilespmem:s25+$0x10];
	s16 =	sld [smem:$0x7EF]  }
0x17b: {  	v30 =	vmax.bf16 v61, v32;
	v27 =	vmax.bf16 v27, v28;
	s18 =	sld [smem:$0x7F0];
	v25 =	vmax.bf16 v62, v25;
	v62 =	vld [tilespmem:s24+$0x10]  }
0x17c: {  	v0 =	vmax.bf16 v0, v46;
	v24 =	vshll.u32 v24, v7;
	v28 =	vmax.bf16 v47, v63;
	v63 =	vld [tilespmem:s26+$0x10]  }
0x17d: {  	v20 =	vor.u32 v14, v33;
	v59 =	vmax.bf16 v29, v30;
	v1 =	vbroadcast v24, $0x0;
	s21 =	sld [smem:$0x7F1];
	v50 =	vld [tilespmem:s16+$0x10]  }
0x17e: {  	v6 =	vmax.bf16 v26, v6;
	v0 =	vmax.bf16 v27, v0;
	v24 =	vmax.bf16 v54, v55;
	s24 =	sld [smem:$0x7F2];
	v51 =	vld [tilespmem:s18+$0x10]  }
0x17f: {  	v0 =	vmax.bf16 v59, v0;
	v32 =	vor.u32 v8, v1;
	v33 =	vmax.bf16 v57, v58;
	v58 =	vld [tilespmem:$0x1FFF0]  }
0x180: {  	v31 =	vor.u32 v9, v1;
	v6 =	vmax.bf16 v6, v25;
	v61 =	vld [tilespmem:s21+$0x10];
	v27 =	vmax.bf16 v28, v33  }
0x181: {  	s25 =	sld [smem:$0x7F3];
	v30 =	vor.u32 v4, v1;
	v29 =	vor.u32 v10, v1;
	v57 =	vld [tilespmem:s23+$0x10];
	s23 =	sand.u32 $0xFFFF, s24;
	v6 =	vmax.bf16 v6, v27  }
0x182: {  	s29 =	sld [smem:$0x7F6];
	v26 =	vor.u32 v11, v1;
	v25 =	vor.u32 v12, v1;
	s22 =	sshrl.u32 s24, $0x10;
	v45 =	vmax.bf16 v0, v6;
	v0 =	vld [tilespmem:s23+$0x0]  }
0x183: {  	s26 =	sld [smem:$0x7F4];
	v28 =	vor.u32 v13, v1;
	v27 =	vor.u32 v14, v1;
	v1 =	vmax.bf16 v35, v36;
	v6 =	vld [tilespmem:s22+$0x0]  }
0x184: {  	s28 =	sld [smem:$0x7F5];
	v38 =	vld [tilespmem:s25+$0x10];
	s21 =	sand.u32 $0xFFFF, s13;
	v36 =	vor.u32 v11, v21;
	v35 =	vor.u32 v12, v21;
	v52 =	vmax.bf16 v58, v37  }
0x185: {  	s31 =	sld [smem:$0x7F8];
	s0 =	sshll.u32 s29, $0xC;
	v41 =	vld [tilespmem:s21+$0x0];
	v59 =	vmax.bf16 v50, v51;
	v60 =	vmax.bf16 v60, v61;
	v61 =	vmax.bf16 v62, v63  }
0x186: {  	s0 =	sand.u32 $0x1000, s0;
	v37 =	vld [tilespmem:s26+$0x10];
	v62 =	vmax.bf16 v52, v39;
	v34 =	vmax.bf16 v34, v59;
	v63 =	vmax.bf16 v60, v61  }
0x187: {  	s24 =	sshrl.u32 s13, $0x10;
	v33 =	vmax.bf16 v56, v57;
	v39 =	vld [tilespmem:s28+$0x10];
	[smem:$0x7F7] =	sst s0;
	v40 =	vmax.bf16 v62, v40;
	v44 =	vmax.bf16 v34, v63  }
0x188: {  	s4 =	simm.s32 $0x4;
	s16 =	sadd.s32 $0x20, s31;
	v42 =	vld [tilespmem:s24+$0x0];
	v34 =	vmax.bf16 v1, v33;
	v43 =	vmax.bf16 v0, v6;
	v40 =	vmax.bf16 v40, v44  }
.LBB2_5:
0x189: {  	[dreg:$0x16] =	wrdreg s3  }
0x18a: {  	[dreg:$0x15] =	wrdreg s2  }
0x18b: {  	[dreg:$0x14] =	wrdreg s1  }
0x18c: {  	s0 =	rddreg [dreg:$0xa]  }
0x18d: {  	s29 =	rddreg [dreg:$0x9]  }
0x18e: {  	s1 =	rddreg [dreg:$0xb]  }
0x18f: {  	s3 =	rddreg [dreg:$0x8]  }
0x190: {  	s9 =	rddreg [dreg:$0x13]  }
0x191: {  	s2 =	smov.u32 s11;
	s11 =	rddreg [dreg:$0xc]  }
0x192: {  	v33 =	vld [tilespmem:s16+$0x0];
	v0 =	vmax.bf16 v40, v34;
	s13 =	rddreg [dreg:$0xd];
	v1 =	vmax.bf16 v41, v42  }
0x193: {  	v46 =	vld [tilespmem:s16+$0xFFFFFFF0];
	s18 =	rddreg [dreg:$0xe];
	v6 =	vshll.u32 v0, $0x10;
	v1 =	vmax.bf16 v43, v1  }
0x194: {  	s28 =	smov.u32 s7;
	s25 =	rddreg [dreg:$0x11];
	v0 =	vand.u32 $0xFFFF0000, v0;
	[tilespmem:v36+s30+$0x0] =	vst.idx.msk $0xffff, v6;
	v6 =	vld [tilespmem:s0+$0x10];
	v22 =	vmax.bf16 v22, v38;
	v1 =	vmax.bf16 v45, v1  }
0x195: {  	s31 =	smov.u32 s15;
	[dreg:$0xa] =	wrdreg s28;
	[tilespmem:v35+s30+$0x0] =	vst.idx.msk $0xffff, v0;
	v0 =	vld [tilespmem:s29+$0x10];
	v22 =	vmax.bf16 v24, v22;
	v24 =	vshll.u32 v1, $0x10  }
0x196: {  	[dreg:$0x9] =	wrdreg s31;
	v35 =	vld [tilespmem:s20+$0xFA90];
	v1 =	vand.u32 $0xFFFF0000, v1;
	[tilespmem:v32+s30+$0x0] =	vst.idx.msk $0xffff, v24  }
0x197: {  	s7 =	smov.u32 s12;
	[dreg:$0xb] =	wrdreg s2;
	(v2sf) =	vpush v33, $0x8;
	v32 =	vld [tilespmem:s1+$0x10];
	[tilespmem:v31+s30+$0x0] =	vst.idx.msk $0xffff, v1  }
0x198: {  	s12 =	smov.u32 s19;
	[dreg:$0x8] =	wrdreg s7;
	(v2sf) =	vpush v46, $0x0;
	v24 =	vor.u32 v13, v21;
	v1 =	vor.u32 v14, v21;
	v21 =	vld [tilespmem:s3+$0x10]  }
0x199: {  	s15 =	smov.u32 s10;
	[dreg:$0xc] =	wrdreg s12;
	v22 =	vmax.bf16 v23, v22;
	(v2sf) =	vpush v33, $0x0;
	v23 =	vld [tilespmem:s9+$0xFA80]  }
0x19a: {  	s19 =	smov.u32 s23;
	[dreg:$0xd] =	wrdreg s15;
	(v2sf) =	vpush v46, $0x1  }
0x19b: {  	s26 =	smov.u32 s21;
	[dreg:$0xe] =	wrdreg s19;
	(v2sf) =	vpush v33, $0x1;
	v31 =	vld [tilespmem:s11+$0x10]  }
0x19c: {  	[dreg:$0x11] =	wrdreg s26;
	v0 =	vmax.bf16 v6, v0;
	v6 =	vshll.u32 v35, $0x10;
	v48 =	vld [tilespmem:s13+$0x10];
	(v2sf) =	vpush v46, $0x2  }
0x19d: {  	s28 =	rddreg [dreg:$0x10];
	v49 =	vld [tilespmem:s25+$0x10];
	(v2sf) =	vpush v33, $0x2;
	[tilespmem:v24+s30+$0x0] =	vst.idx.msk $0xffff, v6;
	v6 =	vand.u32 $0xFFFF0000, v35  }
0x19e: {  	s20 =	rddreg [dreg:$0xf];
	(v2sf) =	vpush v46, $0x3;
	v24 =	vld [tilespmem:s18+$0x10];
	[tilespmem:v1+s30+$0x0] =	vst.idx.msk $0xffff, v6;
	v6 =	vmax.bf16 v32, v21;
	v21 =	vshll.u32 v23, $0x10  }
0x19f: {  	s31 =	rddreg [dreg:$0x6];
	(v2sf) =	vpush v33, $0x3;
	v1 =	vld [tilespmem:s20+$0x10];
	v23 =	vand.u32 $0xFFFF0000, v23;
	[tilespmem:v30+s30+$0x0] =	vst.idx.msk $0xffff, v21  }
0x1a0: {  	s23 =	smov.u32 s22;
	s0 =	rddreg [dreg:$0x7];
	(v2sf) =	vpush v46, $0x4;
	v21 =	vld [tilespmem:s28+$0x10];
	[tilespmem:v29+s30+$0x0] =	vst.idx.msk $0xffff, v23  }
0x1a1: {  	s29 =	smov.u32 s24;
	[dreg:$0xf] =	wrdreg s23;
	(v2sf) =	vpush v33, $0x4;
	v29 =	vld [tilespmem:s31+$0xFA90]  }
0x1a2: {  	s2 =	smov.u32 s0;
	v47 =	vmax.bf16 v37, v39;
	[dreg:$0x10] =	wrdreg s29;
	(v2sf) =	vpush v46, $0x5;
	v23 =	vmax.bf16 v31, v48;
	v30 =	vld [tilespmem:s5+$0x10]  }
0x1a3: {  	[dreg:$0x6] =	wrdreg s2;
	v0 =	vmax.bf16 v47, v0;
	v6 =	vmax.bf16 v6, v23;
	v23 =	vld [tilespmem:s6+$0x10]  }
0x1a4: {  	s3 =	smov.u32 s9;
	s9 =	rddreg [dreg:$0x17];
	(v2sf) =	vpush v33, $0x5;
	v0 =	vmax.bf16 v0, v6;
	v6 =	vld [tilespmem:s8+$0x10]  }
0x1a5: {  	s11 =	rddreg [dreg:$0x18];
	(v2sf) =	vpush v46, $0x6;
	v1 =	vmax.bf16 v24, v1;
	v24 =	vld [tilespmem:s9+$0x10];
	v21 =	vmax.bf16 v49, v21  }
0x1a6: {  	[dreg:$0x7] =	wrdreg s3;
	v31 =	vld [tilespmem:s14+$0x10];
	(v2sf) =	vpush v33, $0x6;
	s10 =	spop (v2sf);
	v1 =	vmax.bf16 v1, v21;
	v21 =	vshll.u32 v29, $0x10  }
0x1a7: {  	v50 =	vld [tilespmem:s11+$0x10];
	v0 =	vmax.bf16 v22, v0;
	(v2sf) =	vpush v46, $0x7;
	s12 =	sand.u32 $0xFFFF, s10;
	s13 =	spop (v2sf);
	s14 =	sshrl.u32 s10, $0x10;
	[tilespmem:v15+s30+$0x0] =	vst.idx.msk $0xffff, v21  }
0x1a8: {  	(v2sf) =	vpush v33, $0x7;
	[dreg:$0x19] =	wrdreg s12;
	s20 =	sand.u32 $0xFFFF, s13;
	s15 =	spop (v2sf);
	v0 =	vmax.bf16 v0, v1;
	v1 =	vand.u32 $0xFFFF0000, v29;
	v22 =	vld [tilespmem:s17+$0x10]  }
0x1a9: {  	[dreg:$0x1a] =	wrdreg s14;
	(v2sf) =	vpush v46, $0x8;
	s6 =	sshrl.u32 s13, $0x10;
	s18 =	spop (v2sf);
	v21 =	vmax.bf16 v30, v23;
	v23 =	vshll.u32 v0, $0x10;
	[tilespmem:v16+s30+$0x0] =	vst.idx.msk $0xffff, v1;
	v1 =	vld [tilespmem:s12+$0x0]  }
0x1aa: {  	(v2sf) =	vpush v33, $0x9;
	s19 =	sshrl.u32 s15, $0x10;
	v6 =	vmax.bf16 v6, v24;
	s8 =	sand.u32 $0xFFFF, s18;
	s21 =	spop (v2sf);
	[tilespmem:v17+s30+$0x0] =	vst.idx.msk $0xffff, v23;
	v17 =	vmov v26;
	v26 =	vld [tilespmem:s14+$0x0]  }
0x1ab: {  	[dreg:$0x1c] =	wrdreg s19;
	s23 =	spop (v2sf);
	s24 =	sshrl.u32 s21, $0x10;
	v23 =	vmax.bf16 v21, v6;
	v6 =	vld [tilespmem:s19+$0x0]  }
0x1ac: {  	s1 =	sshrl.u32 s18, $0x10;
	v0 =	vand.u32 $0xFFFF0000, v0;
	v16 =	vmov v20;
	v20 =	vmov v27;
	s17 =	sand.u32 $0xFFFF, s15;
	s25 =	spop (v2sf);
	v27 =	vld [tilespmem:s24+$0x0]  }
0x1ad: {  	s22 =	sand.u32 $0xFFFF, s21;
	[dreg:$0x1b] =	wrdreg s17;
	[tilespmem:v18+s30+$0x0] =	vst.idx.msk $0xffff, v0;
	v0 =	vld [tilespmem:s17+$0x0];
	s28 =	spop (v2sf)  }
0x1ae: {  	[dreg:$0x1d] =	wrdreg s22;
	v18 =	vmov v25;
	v25 =	vld [tilespmem:s22+$0x0];
	s26 =	sand.u32 $0xFFFF, s25;
	s31 =	spop (v2sf)  }
0x1af: {  	v15 =	vmov v19;
	v19 =	vmov v28;
	s14 =	sand.u32 $0xFFFF, s23;
	s29 =	sshrl.u32 s25, $0x10;
	v28 =	vld [tilespmem:s26+$0x0];
	s10 =	spop (v2sf)  }
0x1b0: {  	s9 =	sshrl.u32 s23, $0x10;
	v29 =	vld [tilespmem:s29+$0x0];
	s5 =	sand.u32 $0xFFFF, s31;
	s12 =	spop (v2sf)  }
0x1b1: {  	s30 =	rddreg [dreg:$0x12];
	s11 =	sshrl.u32 s31, $0x10;
	v30 =	vld [tilespmem:s5+$0x0];
	s13 =	spop (v2sf)  }
0x1b2: {  	v24 =	vmax.bf16 v31, v50;
	[dreg:$0x1f] =	wrdreg s26;
	v31 =	vld [tilespmem:s11+$0x0];
	s18 =	sand.u32 $0xFFFF, s12;
	s15 =	sand.u32 $0xFFFF, s13  }
0x1b3: {  	s25 =	sshrl.u32 s12, $0x10;
	v51 =	vld [tilespmem:s18+$0x0];
	s19 =	spop (v2sf);
	[smem:$0x7C8] =	sst s15  }
0x1b4: {  	v52 =	vld [tilespmem:s25+$0x0];
	s15 =	sshrl.u32 s13, $0x10;
	s13 =	sand.u32 $0xFFFF, s19;
	s21 =	spop (v2sf)  }
0x1b5: {  	(v2sf) =	vpush v46, $0x9;
	s17 =	sand.u32 $0xFFFF, s28;
	s3 =	sshrl.u32 s19, $0x10;
	v54 =	vld [tilespmem:s13+$0x0];
	s22 =	spop (v2sf)  }
0x1b6: {  	(v2sf) =	vpush v46, $0xA;
	s2 =	sshrl.u32 s28, $0x10;
	v55 =	vld [tilespmem:s3+$0x0];
	s0 =	sand.u32 $0xFFFF, s22;
	s23 =	spop (v2sf)  }
0x1b7: {  	s30 =	sadd.s32 $0x100, s30;
	s7 =	sshrl.u32 s22, $0x10;
	v56 =	vld [tilespmem:s0+$0x0];
	s28 =	spop (v2sf);
	(v2sf) =	vpush v33, $0xA  }
0x1b8: {  	[smem:$0x7C9] =	sst s29;
	v21 =	vmov s30;
	v57 =	vld [tilespmem:s7+$0x0];
	s26 =	sand.u32 $0xFFFF, s28;
	s22 =	spop (v2sf)  }
0x1b9: {  	[smem:$0x7CA] =	sst s5;
	v21 =	vshrl.u32 v21, $0x7;
	s5 =	sshrl.u32 s28, $0x10;
	v58 =	vld [tilespmem:s26+$0x0];
	s29 =	spop (v2sf)  }
0x1ba: {  	v21 =	vshll.u32 v21, v7;
	v59 =	vld [tilespmem:s5+$0x0];
	s28 =	sand.u32 $0xFFFF, s29  }
0x1bb: {  	v21 =	vbroadcast v21, $0x0;
	s29 =	sshrl.u32 s29, $0x10;
	v60 =	vld [tilespmem:s28+$0x0]  }
0x1bc: {  	v1 =	vmax.bf16 v1, v26;
	v0 =	vmax.bf16 v0, v6;
	v6 =	vmax.bf16 v25, v27;
	v61 =	vld [tilespmem:s29+$0x0]  }
0x1bd: {  	[dreg:$0x17] =	wrdreg s1;
	v63 =	vld [tilespmem:s20+$0x0];
	s1 =	sand.u32 $0xFFFF, s10;
	v25 =	vmax.bf16 v28, v29;
	v0 =	vmax.bf16 v0, v6;
	v26 =	vor.u32 v8, v21  }
0x1be: {  	s31 =	sshrl.u32 s10, $0x10;
	v47 =	vld [tilespmem:s1+$0x0];
	v62 =	vor.u32 v9, v21;
	v28 =	vmax.bf16 v30, v31;
	v29 =	vmax.bf16 v51, v52  }
0x1bf: {  	[smem:$0x7CC] =	sst s20;
	v49 =	vld [tilespmem:s31+$0x0];
	v30 =	vmax.bf16 v54, v55;
	v37 =	vmax.bf16 v56, v57;
	v44 =	vmax.bf16 v58, v59  }
0x1c0: {  	s20 =	rddreg [dreg:$0x17];
	v27 =	vld [tilespmem:s6+$0x0];
	v25 =	vmax.bf16 v25, v28;
	v28 =	vmax.bf16 v29, v30;
	v29 =	vmax.bf16 v37, v44  }
0x1c1: {  	v6 =	vld [tilespmem:s20+$0x0];
	v0 =	vmax.bf16 v0, v25;
	v45 =	vmax.bf16 v60, v61;
	v25 =	vmax.bf16 v28, v29  }
0x1c2: {  	[dreg:$0x1e] =	wrdreg s24;
	v31 =	vld [tilespmem:s8+$0x0];
	v1 =	vmax.bf16 v1, v45;
	v0 =	vmax.bf16 v0, v25  }
0x1c3: {  	[dreg:$0x12] =	wrdreg s30;
	s30 =	sadd.s32 $0xFFFFFF80, s30;
	v30 =	vld [tilespmem:s14+$0x0];
	v0 =	vmax.bf16 v0, v1  }
0x1c4: {  	[smem:$0x7CB] =	sst s11;
	s24 =	spop (v2sf);
	v28 =	vld [tilespmem:s9+$0x0];
	v29 =	vmov s30;
	s30 =	simm.s32 $0x1C280;
	v46 =	vshll.u32 v0, $0x10  }
0x1c5: {  	s11 =	sand.u32 $0xFFFF, s21;
	s12 =	sshrl.u32 s21, $0x10;
	s21 =	spop (v2sf);
	v25 =	vld [tilespmem:s17+$0x0];
	v0 =	vand.u32 $0xFFFF0000, v0;
	[tilespmem:v26+s30+$0x0] =	vst.idx.msk $0xffff, v46  }
0x1c6: {  	v1 =	vld [tilespmem:s2+$0x0];
	[tilespmem:v62+s30+$0x0] =	vst.idx.msk $0xffff, v0;
	s20 =	spop (v2sf)  }
0x1c7: {  	[smem:$0x7CD] =	sst s2;
	v50 =	vld [tilespmem:s20+$0xFA80]  }
0x1c8: {  	s19 =	sand.u32 $0xFFFF, s23;
	s10 =	sshrl.u32 s23, $0x10;
	v52 =	vor.u32 v4, v21;
	s23 =	sand.u32 $0xFFFF, s22;
	v54 =	vld [tilespmem:s15+$0x0]  }
0x1c9: {  	v55 =	vor.u32 v10, v21;
	v43 =	vld [tilespmem:s23+$0x0];
	s2 =	sld [smem:$0x7C8]  }
0x1ca: {  	v56 =	vld [tilespmem:s11+$0x0]  }
0x1cb: {  	v27 =	vmax.bf16 v63, v27;
	v6 =	vmax.bf16 v31, v6;
	v58 =	vld [tilespmem:s10+$0x0]  }
0x1cc: {  	v0 =	vmax.bf16 v30, v28;
	v51 =	vld [tilespmem:s2+$0x0];
	v1 =	vmax.bf16 v25, v1;
	v57 =	vshll.u32 v50, $0x10  }
0x1cd: {  	[dreg:$0x18] =	wrdreg s9;
	v6 =	vmax.bf16 v27, v6;
	v0 =	vmax.bf16 v0, v1;
	v1 =	vld [tilespmem:s12+$0x0];
	v59 =	vand.u32 $0xFFFF0000, v50;
	[tilespmem:v52+s30+$0x0] =	vst.idx.msk $0xffff, v57  }
0x1ce: {  	s9 =	rddreg [dreg:$0x19];
	v0 =	vmax.bf16 v6, v0;
	v6 =	vld [tilespmem:s19+$0x0];
	[tilespmem:v55+s30+$0x0] =	vst.idx.msk $0xffff, v59  }
0x1cf: {  	v34 =	vld [tilespmem:s9+$0x10]  }
0x1d0: {  	v42 =	vld [tilespmem:s18+$0x10]  }
0x1d1: {  	s9 =	rddreg [dreg:$0x1a];
	v44 =	vld [tilespmem:s25+$0x10]  }
0x1d2: {  	v29 =	vshrl.u32 v29, $0x7;
	v61 =	vld [tilespmem:s9+$0x10];
	s9 =	rddreg [dreg:$0x1b]  }
0x1d3: {  	v33 =	vmax.bf16 v47, v49;
	v29 =	vshll.u32 v29, v7;
	v62 =	vld [tilespmem:s9+$0x10];
	s9 =	rddreg [dreg:$0x1c]  }
0x1d4: {  	v60 =	vmax.bf16 v51, v54;
	v1 =	vmax.bf16 v56, v1;
	v6 =	vmax.bf16 v6, v58;
	v38 =	vld [tilespmem:s9+$0x10];
	s9 =	rddreg [dreg:$0x1d]  }
0x1d5: {  	v48 =	vbroadcast v29, $0x0;
	v33 =	vmax.bf16 v33, v60;
	v1 =	vmax.bf16 v1, v6;
	v6 =	vld [tilespmem:s9+$0x10];
	s9 =	rddreg [dreg:$0x1e]  }
0x1d6: {  	v1 =	vmax.bf16 v33, v1;
	v63 =	vld [tilespmem:s9+$0x10];
	s9 =	rddreg [dreg:$0x1f]  }
0x1d7: {  	v32 =	vor.u32 v8, v48;
	v31 =	vor.u32 v9, v48;
	v45 =	vmax.bf16 v0, v1;
	v0 =	vld [tilespmem:s9+$0x10];
	s9 =	sld [smem:$0x7C9]  }
0x1d8: {  	v30 =	vor.u32 v4, v48;
	v29 =	vor.u32 v10, v48;
	v26 =	vor.u32 v11, v48;
	v46 =	vld [tilespmem:s13+$0x10]  }
0x1d9: {  	v28 =	vor.u32 v13, v48;
	v27 =	vor.u32 v14, v48;
	v25 =	vor.u32 v12, v48;
	v48 =	vld [tilespmem:s0+$0x10]  }
0x1da: {  	v1 =	vld [tilespmem:s9+$0x10];
	s9 =	sld [smem:$0x7CA]  }
0x1db: {  	v49 =	vld [tilespmem:s7+$0x10]  }
0x1dc: {  	v50 =	vld [tilespmem:s26+$0x10]  }
0x1dd: {  	v57 =	vld [tilespmem:s9+$0x10];
	s9 =	sld [smem:$0x7CB]  }
0x1de: {  	v51 =	vld [tilespmem:s5+$0x10]  }
0x1df: {  	v47 =	vld [tilespmem:s3+$0x10]  }
0x1e0: {  	[smem:$0x7CE] =	sst s1;
	v40 =	vld [tilespmem:s9+$0x10]  }
0x1e1: {  	[dreg:$0x13] =	wrdreg s21;
	v52 =	vld [tilespmem:s28+$0x10]  }
0x1e2: {  	s4 =	sadd.s32 $0x2, s4;
	v36 =	vor.u32 v11, v21;
	v35 =	vor.u32 v12, v21;
	s22 =	sshrl.u32 s22, $0x10;
	s5 =	sld [smem:$0x7CC];
	v54 =	vld [tilespmem:s29+$0x10];
	v58 =	vmax.bf16 v42, v44  }
0x1e3: {  	p1 =	slt.u32 s4, $0x1E;
	s21 =	sand.u32 $0xFFFF, s24;
	v55 =	vld [tilespmem:s22+$0x0];
	s25 =	sld [smem:$0x7CD];
	v60 =	vmax.bf16 v48, v49;
	v34 =	vmax.bf16 v34, v61;
	v61 =	vmax.bf16 v50, v51  }
.Ltmp1:
0x1e4: {  	v41 =	vld [tilespmem:s21+$0x0];
	s29 =	rddreg [dreg:$0x16];
	v59 =	vmax.bf16 v46, v47;
	v37 =	vmax.bf16 v62, v38;
	v62 =	vmax.bf16 v60, v61;
	(pc) =	sbr.rel @p1 .LBB2_5-.Ltmp1, $4  }
0x1e5: {  	s24 =	sshrl.u32 s24, $0x10;
	s28 =	sld [smem:$0x7CE];
	v39 =	vld [tilespmem:s29+$0x10];
	v6 =	vmax.bf16 v6, v63;
	v0 =	vmax.bf16 v0, v1;
	v1 =	vmax.bf16 v57, v40  }
0x1e6: {  	s18 =	rddreg [dreg:$0x14];
	v42 =	vld [tilespmem:s24+$0x0];
	v6 =	vmax.bf16 v37, v6;
	v0 =	vmax.bf16 v0, v1;
	v1 =	vmax.bf16 v58, v59  }
0x1e7: {  	s16 =	sadd.s32 $0x20, s16;
	s7 =	smov.u32 s2;
	s26 =	rddreg [dreg:$0x15];
	v38 =	vld [tilespmem:s18+$0x10];
	v63 =	vmax.bf16 v52, v54;
	v0 =	vmax.bf16 v6, v0;
	v1 =	vmax.bf16 v1, v62  }
0x1e8: {  	s3 =	smov.u32 s31;
	s1 =	smov.u32 s25;
	s2 =	smov.u32 s28;
	v43 =	vmax.bf16 v43, v55;
	v37 =	vld [tilespmem:s26+$0x10];
	v34 =	vmax.bf16 v34, v63;
	v40 =	vmax.bf16 v0, v1  }
0x1e9: {  	_ =	sdelay $0x1  }
0x1ea: {  	v0 =	vmax.bf16 v41, v42  }
0x1eb: {  	v0 =	vmax.bf16 v43, v0  }
0x1ec: {  	v0 =	vmax.bf16 v45, v0  }
0x1ed: {  	s0 =	rddreg [dreg:$0xa];
	v6 =	vshll.u32 v0, $0x10  }
0x1ee: {  	s16 =	rddreg [dreg:$0x9];
	v0 =	vand.u32 $0xFFFF0000, v0;
	[tilespmem:v32+s30+$0x0] =	vst.idx.msk $0xffff, v6  }
0x1ef: {  	v1 =	vld [tilespmem:s0+$0x10];
	s18 =	rddreg [dreg:$0xb];
	[tilespmem:v31+s30+$0x0] =	vst.idx.msk $0xffff, v0  }
0x1f0: {  	v33 =	vld [tilespmem:s16+$0x10];
	s4 =	rddreg [dreg:$0x13]  }
0x1f1: {  	v0 =	vld [tilespmem:s4+$0xFA80]  }
0x1f2: {  	v6 =	vld [tilespmem:s18+$0x10];
	s25 =	rddreg [dreg:$0x8]  }
0x1f3: {  	s26 =	rddreg [dreg:$0xc];
	v31 =	vld [tilespmem:s25+$0x10]  }
0x1f4: {  	s28 =	rddreg [dreg:$0xd];
	v62 =	vld [tilespmem:s26+$0x10]  }
0x1f5: {  	s29 =	rddreg [dreg:$0xe];
	v63 =	vld [tilespmem:s28+$0x10]  }
0x1f6: {  	s31 =	rddreg [dreg:$0xf];
	v42 =	vld [tilespmem:s29+$0x10];
	v44 =	vshll.u32 v0, $0x10  }
0x1f7: {  	s9 =	rddreg [dreg:$0x11];
	v43 =	vld [tilespmem:s31+$0x10];
	[tilespmem:v30+s30+$0x0] =	vst.idx.msk $0xffff, v44  }
0x1f8: {  	v45 =	vld [tilespmem:s9+$0x10];
	v0 =	vand.u32 $0xFFFF0000, v0;
	s13 =	rddreg [dreg:$0x10]  }
0x1f9: {  	[tilespmem:v29+s30+$0x0] =	vst.idx.msk $0xffff, v0;
	v30 =	vld [tilespmem:s13+$0x10]  }
0x1fa: {  	v0 =	vld [tilespmem:s5+$0x10]  }
0x1fb: {  	v29 =	vld [tilespmem:s6+$0x10]  }
0x1fc: {  	v44 =	vld [tilespmem:s8+$0x10]  }
0x1fd: {  	v47 =	vld [tilespmem:s14+$0x10]  }
0x1fe: {  	v49 =	vld [tilespmem:s17+$0x10]  }
0x1ff: {  	v50 =	vld [tilespmem:s1+$0x10]  }
0x200: {  	v51 =	vld [tilespmem:s2+$0x10]  }
0x201: {  	v52 =	vld [tilespmem:s3+$0x10]  }
0x202: {  	v54 =	vld [tilespmem:s7+$0x10]  }
0x203: {  	v55 =	vld [tilespmem:s15+$0x10]  }
0x204: {  	v56 =	vld [tilespmem:s11+$0x10]  }
0x205: {  	v59 =	vld [tilespmem:s12+$0x10]  }
0x206: {  	v34 =	vmax.bf16 v40, v34;
	v60 =	vld [tilespmem:s19+$0x10]  }
0x207: {  	v40 =	vshll.u32 v34, $0x10;
	v22 =	vmax.bf16 v22, v38;
	v37 =	vmax.bf16 v37, v39;
	v61 =	vld [tilespmem:s10+$0x10]  }
0x208: {  	v1 =	vmax.bf16 v1, v33;
	v6 =	vmax.bf16 v6, v31;
	v62 =	vmax.bf16 v62, v63;
	s16 =	rddreg [dreg:$0x17];
	v63 =	vld [tilespmem:s23+$0x10]  }
0x209: {  	v22 =	vmax.bf16 v24, v22;
	v1 =	vmax.bf16 v37, v1;
	v6 =	vmax.bf16 v6, v62;
	s18 =	rddreg [dreg:$0x18];
	v46 =	vld [tilespmem:s16+$0x10]  }
0x20a: {  	v22 =	vmax.bf16 v23, v22;
	v1 =	vmax.bf16 v1, v6;
	v6 =	vand.u32 $0xFFFF0000, v34;
	[tilespmem:v36+s30+$0x0] =	vst.idx.msk $0xffff, v40;
	v48 =	vld [tilespmem:s18+$0x10]  }
0x20b: {  	v41 =	vmax.bf16 v42, v43;
	v42 =	vld [tilespmem:s22+$0x10];
	v1 =	vmax.bf16 v22, v1;
	[tilespmem:v35+s30+$0x0] =	vst.idx.msk $0xffff, v6  }
0x20c: {  	v43 =	vld [tilespmem:s21+$0x10];
	v30 =	vmax.bf16 v45, v30;
	v0 =	vmax.bf16 v0, v29;
	v49 =	vmax.bf16 v49, v50  }
0x20d: {  	v45 =	vld [tilespmem:s24+$0x10];
	v50 =	vor.u32 v13, v21;
	v52 =	vmax.bf16 v51, v52;
	v57 =	vmax.bf16 v54, v55  }
0x20e: {  	v58 =	vmax.bf16 v56, v59;
	v23 =	vmax.bf16 v60, v61;
	v6 =	vmax.bf16 v41, v30  }
0x20f: {  	v48 =	vmax.bf16 v47, v48;
	v1 =	vmax.bf16 v1, v6;
	v6 =	vmax.bf16 v44, v46  }
0x210: {  	v60 =	vmax.bf16 v63, v42;
	v0 =	vmax.bf16 v0, v6;
	v6 =	vmax.bf16 v48, v49  }
0x211: {  	v23 =	vmax.bf16 v58, v23;
	v0 =	vmax.bf16 v0, v6;
	v6 =	vmax.bf16 v52, v57  }
0x212: {  	v59 =	vld [tilespmem:s20+$0xFA90];
	v61 =	vshll.u32 v1, $0x10;
	v6 =	vmax.bf16 v6, v23;
	v22 =	vmax.bf16 v43, v45  }
0x213: {  	s23 =	rddreg [dreg:$0x6];
	v1 =	vand.u32 $0xFFFF0000, v1;
	[tilespmem:v17+s30+$0x0] =	vst.idx.msk $0xffff, v61;
	v0 =	vmax.bf16 v0, v6;
	v6 =	vmax.bf16 v60, v22  }
0x214: {  	v62 =	vld [tilespmem:s23+$0xFA90];
	v63 =	vor.u32 v14, v21;
	[tilespmem:v18+s30+$0x0] =	vst.idx.msk $0xffff, v1;
	v0 =	vmax.bf16 v0, v6  }
0x215: {  	s24 =	rddreg [dreg:$0x7];
	v1 =	vshll.u32 v0, $0x10  }
0x216: {  	v6 =	vld [tilespmem:s24+$0xFA90];
	v0 =	vand.u32 $0xFFFF0000, v0;
	[tilespmem:v26+s30+$0x0] =	vst.idx.msk $0xffff, v1  }
0x217: {  	v1 =	vshll.u32 v59, $0x10;
	[tilespmem:v25+s30+$0x0] =	vst.idx.msk $0xffff, v0  }
0x218: {  	[tilespmem:v50+s30+$0x0] =	vst.idx.msk $0xffff, v1;
	v0 =	vand.u32 $0xFFFF0000, v59;
	v1 =	vld [tilespmem:s4+$0xFA90]  }
0x219: {  	[tilespmem:v63+s30+$0x0] =	vst.idx.msk $0xffff, v0;
	v0 =	vshll.u32 v62, $0x10  }
0x21a: {  	[tilespmem:v15+s30+$0x0] =	vst.idx.msk $0xffff, v0;
	v0 =	vand.u32 $0xFFFF0000, v62  }
0x21b: {  	[tilespmem:v16+s30+$0x0] =	vst.idx.msk $0xffff, v0;
	v0 =	vshll.u32 v6, $0x10  }
0x21c: {  	[tilespmem:v19+s30+$0x0] =	vst.idx.msk $0xffff, v0;
	v0 =	vand.u32 $0xFFFF0000, v6  }
0x21d: {  	[tilespmem:v20+s30+$0x0] =	vst.idx.msk $0xffff, v0;
	v0 =	vshll.u32 v1, $0x10  }
0x21e: {  	[tilespmem:v28+s30+$0x0] =	vst.idx.msk $0xffff, v0  }
0x21f: {  	s25 =	sld [smem:$0x7F6]  }
0x220: {  	v0 =	vand.u32 $0xFFFF0000, v1  }
0x221: {  	[tilespmem:v27+s30+$0x0] =	vst.idx.msk $0xffff, v0  }
0x222: {  	s28 =	sld [smem:$0x7FC];
	s3 =	sadd.s32 $0x1, s25  }
0x223: {  	s29 =	sld [smem:$0x7F7];
	p1 =	sne.s32 s3, $0x10  }
.Ltmp2:
0x224: {  	_ = 	snop;
	(pc) =	sbr.rel @p1 .LBB2_4-.Ltmp2, $4  }
0x225: {  	s31 =	sld [smem:$0x7CF];
	s26 =	sshll.u32 s25, $0x9  }
0x226: {  	s30 =	simm.s32 $0x0;
	s0 =	sadd.s32 s26, s28;
	s1 =	sadd.s32 $0x1C280, s29  }
0x227: {  	[hbm4b:s0+s30] =	stream.linear.scatter [tilespmem:s1], [sflag:$0x1], $0x1000, $0x38;
	[tilespmem:$0x1E280] =	vst v63  }
0x228: {  	p0 =	por !p0, !p0;
	s1 =	sadd.s32 $0x200, s31  }
0x229: {  	s1 =	simm.s32 $0x1  }
0x22a: {  	_ =	swait.ge [sflag:s1], $0x1000  }
0x22b: {  	[sflag:s1] =	ssyncset.done $0x0  }
0x22c: {  	[sflag:s1] =	ssyncadd.s32 $0xFFFFF000  }
0x22d: {  	_ =	swait.ge [sflag:s1], $0x1000  }
0x22e: {  	s2 =	sld [smem:$0x7F9]  }
0x22f: {  	s0 =	sld [smem:$0x7FD];
	_ =	sdelay $0x1  }
0x230: {  	s2 =	sadd.s32 $0x1, s2  }
0x231: {  	p0 =	sne.s32 s2, s0  }
.Ltmp3:
0x232: {  	_ = 	snop;
	(pc) =	sbr.rel @p0 .LBB2_1-.Ltmp3, $3  }
0x233: {  	_ =	sdelay $0x1  }
0x234: {  	[sflag:s1] =	ssyncset.done $0x0  }
0x235: {  	v1 =	vimm.s32 $0x0;
	[sflag:s1] =	ssyncadd.s32 $0xFFFFF000  }
0x236: {  	_ =	sfence.sel $0x180000  }
0x237: {  	[bflag:$0x0] =	sbarrier.arrive $0xFFFF  }
0x238: {  	_ =	strace $0x90000047  }
0x239: {  	s0 =	stileid.u32;
	[bflag:$0x2] =	sbarrier.arrive $0xFFFF  }
0x23a: {  	p0 =	sne.s32 s0, $0x0;
	s0 =	rddreg [dreg:$0x5]  }
0x23b: {  	s0 =	sadd.s32 @!p0 $0x100000, s0  }
0x23c: {  	[sflag:s0] =	ssyncadd.tile.s32 @!p0 $0x1;
	_ =	shalt  }
.Lfunc_end2:
_tile_overlayer_lowered:
.L_overlay_start_2:
0x23d: {  	(tag) =	ssettag $0x2  }
0x23e: {  	s0 =	rddreg [dreg:$0x0];
	s2 =	stileid.u32  }
0x23f: {  	s1 =	rddreg [dreg:$0x1];
	p0 =	sne.s32 s2, $0x0  }
0x240: {  	s3 =	rddreg [dreg:$0x2];
	[bflag:$0x3] =	sbarrier.arrive $0xFFFF;
	s2 =	simm.s32 @!p0 $0x1C03  }
0x241: {  	[timem:s3], [sflag:s2] =	dma.local @!p0 [hbm:s0], s1  }
0x242: {  	s0 =	simm.s32 @!p0 $0x3  }
0x243: {  	_ =	swait.ge @!p0 [sflag:s0], s1  }
0x244: {  	s1 =	ssub.s32 @!p0 $0x0, s1;
	[sflag:s0] =	ssyncset.done @!p0 $0x0  }
0x245: {  	[sflag:s0] =	ssyncadd.s32 @!p0 s1  }
0x246: {  	[bflag:$0x3] =	sbarrier.arrive $0xFFFF  }
0x247: {  	_ =	shalt  }

</sc_bundles>
